<compile_context>
chip_gen: v7x
topology: tpu7x:2x2x1
jax: 0.10.2.dev20260603
libtpu: 0.0.44.dev20260713+nightly
codegen_flags: <defaults>
</compile_context>

<pallas_src>
import functools

import jax
import jax.numpy as jnp
from jax import lax
from jax.experimental import pallas as pl
from jax.experimental.pallas import tpu as pltpu
from jax.experimental.pallas import tpu_sc as plsc

_NC = 2
_NS = 16
_NW = _NC * _NS

_B = 16
_L1 = 2049
_LR = 1024
_D = 128
_LO = 1025

_RW = (_B * _LR) // _NW
_CHUNK = 128
_NCHUNK = _RW // _CHUNK


def _gather_sc(table, idx3):
    mesh = plsc.VectorSubcoreMesh(core_axis_name="c", subcore_axis_name="s")

    @functools.partial(
        pl.kernel,
        mesh=mesh,
        out_type=jax.ShapeDtypeStruct((_B * _LO, _D), jnp.float32),
        scratch_types=[
            pltpu.VMEM((_NCHUNK, _CHUNK), jnp.int32),
            pltpu.VMEM((_RW, _D), jnp.float32),
            pltpu.VMEM((1, _D), jnp.float32),
            pltpu.SemaphoreType.DMA,
        ],
        compiler_params=pltpu.CompilerParams(use_tc_tiling_on_sc=False),
    )
    def body(table_hbm, idx_hbm, out_hbm, iv, buf, gt, sem):
        c = lax.axis_index("c")
        s = lax.axis_index("s")
        wid = s * _NC + c

        pltpu.sync_copy(idx_hbm.at[wid], iv)

        off = s * _L1 + 1
        for j in range(_NCHUNK):
            for i in range(_CHUNK // 16):
                sl = pl.ds(i * 16, 16)
                iv[j, sl] = iv[j, sl] + off

        copies = [
            pltpu.async_copy(
                table_hbm.at[iv.at[j]],
                buf.at[pl.ds(j * _CHUNK, _CHUNK)],
                sem,
            )
            for j in range(_NCHUNK)
        ]

        @pl.when(c == 0)
        def _():
            pltpu.sync_copy(table_hbm.at[pl.ds(s * _L1, 1)], gt)
            pltpu.sync_copy(gt, out_hbm.at[pl.ds(s * _LO, 1)])

        for cp in copies:
            cp.wait()

        ob = s * _LO + 1 + c * _RW
        pltpu.sync_copy(buf, out_hbm.at[pl.ds(ob, _RW)])

    return body(table, idx3)


def kernel(text, text_remain_idx, text_remain_padding_mask, text_revert_padding_mask):
    table = text.reshape(_B * _L1, _D)
    idx3 = text_remain_idx.astype(jnp.int32).reshape(_NW, _NCHUNK, _CHUNK)
    out = _gather_sc(table, idx3).reshape(_B, _LO, _D)
    ones = jnp.ones((_B, 1), dtype=jnp.float32)
    remain_mask = jnp.concatenate([ones, text_remain_padding_mask], axis=-1)
    revert_mask = jnp.concatenate([ones, text_revert_padding_mask], axis=-1)
    return (out, remain_mask, revert_mask)

# --- scband reference (transcript-rebuilt; emitter-appended) ---
"""Pipeline reference for scband-nlp-remain-4715874091600 (READ-ONLY COPY).

The authoritative reference and input builder live on the scoring server;
editing this copy changes nothing except your own understanding.
"""

import jax, jax.numpy as jnp
import numpy as np


def setup_inputs(seed: int = 0) -> dict:
    key = jax.random.key(seed)
    k1, k2 = jax.random.split(key)
    B, L, D, Lr = 16, 2048, 128, 1024
    return {
        "text": jax.random.normal(k1, (B, L + 1, D), dtype=jnp.float32),
        "text_remain_idx": jax.random.randint(k2, (B, Lr), 0, L),
        "text_remain_padding_mask": jnp.ones((B, Lr), dtype=jnp.float32),
        "text_revert_padding_mask": jnp.ones((B, L), dtype=jnp.float32),
    }


def reference(text, text_remain_idx, text_remain_padding_mask, text_revert_padding_mask):
    # NlpRemain with nlp_cols = ["text"], flattened dicts to tensor args.
    global_token = text[:, :1, :]
    val = text[:, 1:, :]
    B, Lr = text_remain_idx.shape
    D = val.shape[-1]
    idx = jnp.broadcast_to(text_remain_idx[:, :, None], (B, Lr, D))
    gathered = jnp.take_along_axis(val, idx, axis=1)
    out = jnp.concatenate([global_token, gathered], axis=1)
    ones = jnp.ones((out.shape[0], 1), dtype=jnp.float32)
    remain_mask = jnp.concatenate([ones, text_remain_padding_mask], axis=-1)
    revert_mask = jnp.concatenate([ones, text_revert_padding_mask], axis=-1)
    return (out, remain_mask, revert_mask)

if __name__ == "__main__":
    import jax
    _d = setup_inputs()
    print(jax.jit(kernel)(*tuple(_d.values())))

</pallas_src>

<mosaic_0001>
#map = affine_map<(d0, d1) -> (0, 0)>
#map1 = affine_map<(d0, d1) -> (0, 0, 0)>
module attributes {stable_mosaic.version = 14 : i64} {
  func.func @body(%arg0: i32, %arg1: i32, %arg2: memref<32784x128xf32, #tpu.memory_space<hbm>>, %arg3: memref<32x4x128xi32, #tpu.memory_space<hbm>>, %arg4: memref<16400x128xf32, #tpu.memory_space<hbm>>, %arg5: memref<4x128xi32, #tpu.memory_space<vmem>>, %arg6: memref<512x128xf32, #tpu.memory_space<vmem>>, %arg7: memref<1x128xf32, #tpu.memory_space<vmem>>, %arg8: memref<!tpu.dma_semaphore, #tpu.memory_space<semaphore_mem>>) attributes {dimension_semantics = [#tpu.dimension_semantics<core_parallel>, #tpu.dimension_semantics<subcore_parallel>], iteration_bounds = array<i64: 2, 16>, scalar_prefetch = 0 : i64, scratch_operands = 4 : i64, tpu.core_type = #tpu.core_type<sc_vector_subcore>, window_params = [{transform_indices = #map}, {transform_indices = #map1}, {transform_indices = #map}]} {
    %mul3A = arith.constant 2 : i32
    %mul3A_0 = arith.muli %arg1, %mul3A : i32
    %add3A = arith.addi %mul3A_0, %arg0 : i32
    "tpu.region"() ({
      %run_scoped3A = tpu.sem_alloc : memref<!tpu.dma_semaphore, #tpu.memory_space<semaphore_mem>>
      %dma_start3A_506 = arith.constant 0 : i32
      %dma_start3A_507 = arith.constant 0 : i32
      %dma_start3A_508 = tpu.memref_slice %arg3[%add3A, %dma_start3A_506, %dma_start3A_507] : memref<32x4x128xi32, #tpu.memory_space<hbm>> -> memref<1x4x128xi32, #tpu.memory_space<hbm>>
      %dma_start3A_509 = tpu.memref_squeeze %dma_start3A_508 : memref<1x4x128xi32, #tpu.memory_space<hbm>> -> memref<4x128xi32, #tpu.memory_space<hbm>>
      %dma_start3A_510 = arith.constant 0 : i32
      %dma_start3A_511 = arith.constant 0 : i32
      %dma_start3A_512 = tpu.memref_slice %arg3[%add3A, %dma_start3A_510, %dma_start3A_511] : memref<32x4x128xi32, #tpu.memory_space<hbm>> -> memref<1x4x128xi32, #tpu.memory_space<hbm>>
      %dma_start3A_513 = tpu.memref_squeeze %dma_start3A_512 : memref<1x4x128xi32, #tpu.memory_space<hbm>> -> memref<4x128xi32, #tpu.memory_space<hbm>>
      tpu.enqueue_dma source(%dma_start3A_513 : memref<4x128xi32, #tpu.memory_space<hbm>>) target(%arg5 : memref<4x128xi32, #tpu.memory_space<vmem>>) target_semaphore(%run_scoped3A : memref<!tpu.dma_semaphore, #tpu.memory_space<semaphore_mem>>)
      %dma_wait3A_514 = arith.constant 0 : i32
      %dma_wait3A_515 = arith.constant 0 : i32
      %dma_wait3A_516 = tpu.memref_slice %arg3[%add3A, %dma_wait3A_514, %dma_wait3A_515] : memref<32x4x128xi32, #tpu.memory_space<hbm>> -> memref<1x4x128xi32, #tpu.memory_space<hbm>>
      %dma_wait3A_517 = tpu.memref_squeeze %dma_wait3A_516 : memref<1x4x128xi32, #tpu.memory_space<hbm>> -> memref<4x128xi32, #tpu.memory_space<hbm>>
      %dma_wait3A_518 = arith.constant 0 : i32
      %dma_wait3A_519 = arith.constant 0 : i32
      %dma_wait3A_520 = tpu.memref_slice %arg3[%add3A, %dma_wait3A_518, %dma_wait3A_519] : memref<32x4x128xi32, #tpu.memory_space<hbm>> -> memref<1x4x128xi32, #tpu.memory_space<hbm>>
      %dma_wait3A_521 = tpu.memref_squeeze %dma_wait3A_520 : memref<1x4x128xi32, #tpu.memory_space<hbm>> -> memref<4x128xi32, #tpu.memory_space<hbm>>
      tpu.wait_dma2 semaphore(%run_scoped3A : memref<!tpu.dma_semaphore, #tpu.memory_space<semaphore_mem>>) src(%dma_wait3A_521 : memref<4x128xi32, #tpu.memory_space<hbm>>) dst(%arg5 : memref<4x128xi32, #tpu.memory_space<vmem>>)
      tpu.yield
    }) : () -> ()
    %mul3A_1 = arith.constant 2049 : i32
    %mul3A_2 = arith.muli %arg1, %mul3A_1 : i32
    %add3A_3 = arith.constant 1 : i32
    %add3A_4 = arith.addi %mul3A_2, %add3A_3 : i32
    %get3A = arith.constant 0 : i32
    %get3A_5 = arith.index_cast %get3A : i32 to index
    %get3A_6 = arith.constant 0 : index
    %get3A_7 = tpu.vector_load %arg5[%get3A_5, %get3A_6] {strides = array<i32>} : memref<4x128xi32, #tpu.memory_space<vmem>>, vector<1x16xi32>,
    %get3A_8 = vector.shape_cast %get3A_7 : vector<1x16xi32> to vector<16xi32>
    %add3A_9 = vector.broadcast %add3A_4 : i32 to vector<16xi32>
    %add3A_10 = arith.addi %get3A_8, %add3A_9 : vector<16xi32>
    %swap3A = arith.constant 0 : i32
    %swap3A_11 = arith.index_cast %swap3A : i32 to index
    %swap3A_12 = arith.constant 0 : index
    %swap3A_13 = tpu.vector_load %arg5[%swap3A_11, %swap3A_12] {strides = array<i32>} : memref<4x128xi32, #tpu.memory_space<vmem>>, vector<1x16xi32>,
    %swap3A_14 = vector.shape_cast %swap3A_13 : vector<1x16xi32> to vector<16xi32>
    %swap3A_15 = vector.shape_cast %add3A_10 : vector<16xi32> to vector<1x16xi32>
    tpu.vector_store %arg5[%swap3A_11, %swap3A_12], %swap3A_15 {strides = array<i32>} : memref<4x128xi32, #tpu.memory_space<vmem>>, vector<1x16xi32>,
    %get3A_16 = arith.constant 0 : i32
    %get3A_17 = arith.index_cast %get3A_16 : i32 to index
    %get3A_18 = arith.constant 16 : index
    %get3A_19 = tpu.vector_load %arg5[%get3A_17, %get3A_18] {strides = array<i32>} : memref<4x128xi32, #tpu.memory_space<vmem>>, vector<1x16xi32>,
    %get3A_20 = vector.shape_cast %get3A_19 : vector<1x16xi32> to vector<16xi32>
    %add3A_21 = vector.broadcast %add3A_4 : i32 to vector<16xi32>
    %add3A_22 = arith.addi %get3A_20, %add3A_21 : vector<16xi32>
    %swap3A_23 = arith.constant 0 : i32
    %swap3A_24 = arith.index_cast %swap3A_23 : i32 to index
    %swap3A_25 = arith.constant 16 : index
    %swap3A_26 = tpu.vector_load %arg5[%swap3A_24, %swap3A_25] {strides = array<i32>} : memref<4x128xi32, #tpu.memory_space<vmem>>, vector<1x16xi32>,
    %swap3A_27 = vector.shape_cast %swap3A_26 : vector<1x16xi32> to vector<16xi32>
    %swap3A_28 = vector.shape_cast %add3A_22 : vector<16xi32> to vector<1x16xi32>
    tpu.vector_store %arg5[%swap3A_24, %swap3A_25], %swap3A_28 {strides = array<i32>} : memref<4x128xi32, #tpu.memory_space<vmem>>, vector<1x16xi32>,
    %get3A_29 = arith.constant 0 : i32
    %get3A_30 = arith.index_cast %get3A_29 : i32 to index
    %get3A_31 = arith.constant 32 : index
    %get3A_32 = tpu.vector_load %arg5[%get3A_30, %get3A_31] {strides = array<i32>} : memref<4x128xi32, #tpu.memory_space<vmem>>, vector<1x16xi32>,
    %get3A_33 = vector.shape_cast %get3A_32 : vector<1x16xi32> to vector<16xi32>
    %add3A_34 = vector.broadcast %add3A_4 : i32 to vector<16xi32>
    %add3A_35 = arith.addi %get3A_33, %add3A_34 : vector<16xi32>
    %swap3A_36 = arith.constant 0 : i32
    %swap3A_37 = arith.index_cast %swap3A_36 : i32 to index
    %swap3A_38 = arith.constant 32 : index
    %swap3A_39 = tpu.vector_load %arg5[%swap3A_37, %swap3A_38] {strides = array<i32>} : memref<4x128xi32, #tpu.memory_space<vmem>>, vector<1x16xi32>,
    %swap3A_40 = vector.shape_cast %swap3A_39 : vector<1x16xi32> to vector<16xi32>
    %swap3A_41 = vector.shape_cast %add3A_35 : vector<16xi32> to vector<1x16xi32>
    tpu.vector_store %arg5[%swap3A_37, %swap3A_38], %swap3A_41 {strides = array<i32>} : memref<4x128xi32, #tpu.memory_space<vmem>>, vector<1x16xi32>,
    %get3A_42 = arith.constant 0 : i32
    %get3A_43 = arith.index_cast %get3A_42 : i32 to index
    %get3A_44 = arith.constant 48 : index
    %get3A_45 = tpu.vector_load %arg5[%get3A_43, %get3A_44] {strides = array<i32>} : memref<4x128xi32, #tpu.memory_space<vmem>>, vector<1x16xi32>,
    %get3A_46 = vector.shape_cast %get3A_45 : vector<1x16xi32> to vector<16xi32>
    %add3A_47 = vector.broadcast %add3A_4 : i32 to vector<16xi32>
    %add3A_48 = arith.addi %get3A_46, %add3A_47 : vector<16xi32>
    %swap3A_49 = arith.constant 0 : i32
    %swap3A_50 = arith.index_cast %swap3A_49 : i32 to index
    %swap3A_51 = arith.constant 48 : index
    %swap3A_52 = tpu.vector_load %arg5[%swap3A_50, %swap3A_51] {strides = array<i32>} : memref<4x128xi32, #tpu.memory_space<vmem>>, vector<1x16xi32>,
    %swap3A_53 = vector.shape_cast %swap3A_52 : vector<1x16xi32> to vector<16xi32>
    %swap3A_54 = vector.shape_cast %add3A_48 : vector<16xi32> to vector<1x16xi32>
    tpu.vector_store %arg5[%swap3A_50, %swap3A_51], %swap3A_54 {strides = array<i32>} : memref<4x128xi32, #tpu.memory_space<vmem>>, vector<1x16xi32>,
    %get3A_55 = arith.constant 0 : i32
    %get3A_56 = arith.index_cast %get3A_55 : i32 to index
    %get3A_57 = arith.constant 64 : index
    %get3A_58 = tpu.vector_load %arg5[%get3A_56, %get3A_57] {strides = array<i32>} : memref<4x128xi32, #tpu.memory_space<vmem>>, vector<1x16xi32>,
    %get3A_59 = vector.shape_cast %get3A_58 : vector<1x16xi32> to vector<16xi32>
    %add3A_60 = vector.broadcast %add3A_4 : i32 to vector<16xi32>
    %add3A_61 = arith.addi %get3A_59, %add3A_60 : vector<16xi32>
    %swap3A_62 = arith.constant 0 : i32
    %swap3A_63 = arith.index_cast %swap3A_62 : i32 to index
    %swap3A_64 = arith.constant 64 : index
    %swap3A_65 = tpu.vector_load %arg5[%swap3A_63, %swap3A_64] {strides = array<i32>} : memref<4x128xi32, #tpu.memory_space<vmem>>, vector<1x16xi32>,
    %swap3A_66 = vector.shape_cast %swap3A_65 : vector<1x16xi32> to vector<16xi32>
    %swap3A_67 = vector.shape_cast %add3A_61 : vector<16xi32> to vector<1x16xi32>
    tpu.vector_store %arg5[%swap3A_63, %swap3A_64], %swap3A_67 {strides = array<i32>} : memref<4x128xi32, #tpu.memory_space<vmem>>, vector<1x16xi32>,
    %get3A_68 = arith.constant 0 : i32
    %get3A_69 = arith.index_cast %get3A_68 : i32 to index
    %get3A_70 = arith.constant 80 : index
    %get3A_71 = tpu.vector_load %arg5[%get3A_69, %get3A_70] {strides = array<i32>} : memref<4x128xi32, #tpu.memory_space<vmem>>, vector<1x16xi32>,
    %get3A_72 = vector.shape_cast %get3A_71 : vector<1x16xi32> to vector<16xi32>
    %add3A_73 = vector.broadcast %add3A_4 : i32 to vector<16xi32>
    %add3A_74 = arith.addi %get3A_72, %add3A_73 : vector<16xi32>
    %swap3A_75 = arith.constant 0 : i32
    %swap3A_76 = arith.index_cast %swap3A_75 : i32 to index
    %swap3A_77 = arith.constant 80 : index
    %swap3A_78 = tpu.vector_load %arg5[%swap3A_76, %swap3A_77] {strides = array<i32>} : memref<4x128xi32, #tpu.memory_space<vmem>>, vector<1x16xi32>,
    %swap3A_79 = vector.shape_cast %swap3A_78 : vector<1x16xi32> to vector<16xi32>
    %swap3A_80 = vector.shape_cast %add3A_74 : vector<16xi32> to vector<1x16xi32>
    tpu.vector_store %arg5[%swap3A_76, %swap3A_77], %swap3A_80 {strides = array<i32>} : memref<4x128xi32, #tpu.memory_space<vmem>>, vector<1x16xi32>,
    %get3A_81 = arith.constant 0 : i32
    %get3A_82 = arith.index_cast %get3A_81 : i32 to index
    %get3A_83 = arith.constant 96 : index
    %get3A_84 = tpu.vector_load %arg5[%get3A_82, %get3A_83] {strides = array<i32>} : memref<4x128xi32, #tpu.memory_space<vmem>>, vector<1x16xi32>,
    %get3A_85 = vector.shape_cast %get3A_84 : vector<1x16xi32> to vector<16xi32>
    %add3A_86 = vector.broadcast %add3A_4 : i32 to vector<16xi32>
    %add3A_87 = arith.addi %get3A_85, %add3A_86 : vector<16xi32>
    %swap3A_88 = arith.constant 0 : i32
    %swap3A_89 = arith.index_cast %swap3A_88 : i32 to index
    %swap3A_90 = arith.constant 96 : index
    %swap3A_91 = tpu.vector_load %arg5[%swap3A_89, %swap3A_90] {strides = array<i32>} : memref<4x128xi32, #tpu.memory_space<vmem>>, vector<1x16xi32>,
    %swap3A_92 = vector.shape_cast %swap3A_91 : vector<1x16xi32> to vector<16xi32>
    %swap3A_93 = vector.shape_cast %add3A_87 : vector<16xi32> to vector<1x16xi32>
    tpu.vector_store %arg5[%swap3A_89, %swap3A_90], %swap3A_93 {strides = array<i32>} : memref<4x128xi32, #tpu.memory_space<vmem>>, vector<1x16xi32>,
    %get3A_94 = arith.constant 0 : i32
    %get3A_95 = arith.index_cast %get3A_94 : i32 to index
    %get3A_96 = arith.constant 112 : index
    %get3A_97 = tpu.vector_load %arg5[%get3A_95, %get3A_96] {strides = array<i32>} : memref<4x128xi32, #tpu.memory_space<vmem>>, vector<1x16xi32>,
    %get3A_98 = vector.shape_cast %get3A_97 : vector<1x16xi32> to vector<16xi32>
    %add3A_99 = vector.broadcast %add3A_4 : i32 to vector<16xi32>
    %add3A_100 = arith.addi %get3A_98, %add3A_99 : vector<16xi32>
    %swap3A_101 = arith.constant 0 : i32
    %swap3A_102 = arith.index_cast %swap3A_101 : i32 to index
    %swap3A_103 = arith.constant 112 : index
    %swap3A_104 = tpu.vector_load %arg5[%swap3A_102, %swap3A_103] {strides = array<i32>} : memref<4x128xi32, #tpu.memory_space<vmem>>, vector<1x16xi32>,
    %swap3A_105 = vector.shape_cast %swap3A_104 : vector<1x16xi32> to vector<16xi32>
    %swap3A_106 = vector.shape_cast %add3A_100 : vector<16xi32> to vector<1x16xi32>
    tpu.vector_store %arg5[%swap3A_102, %swap3A_103], %swap3A_106 {strides = array<i32>} : memref<4x128xi32, #tpu.memory_space<vmem>>, vector<1x16xi32>,
    %get3A_107 = arith.constant 1 : i32
    %get3A_108 = arith.index_cast %get3A_107 : i32 to index
    %get3A_109 = arith.constant 0 : index
    %get3A_110 = tpu.vector_load %arg5[%get3A_108, %get3A_109] {strides = array<i32>} : memref<4x128xi32, #tpu.memory_space<vmem>>, vector<1x16xi32>,
    %get3A_111 = vector.shape_cast %get3A_110 : vector<1x16xi32> to vector<16xi32>
    %add3A_112 = vector.broadcast %add3A_4 : i32 to vector<16xi32>
    %add3A_113 = arith.addi %get3A_111, %add3A_112 : vector<16xi32>
    %swap3A_114 = arith.constant 1 : i32
    %swap3A_115 = arith.index_cast %swap3A_114 : i32 to index
    %swap3A_116 = arith.constant 0 : index
    %swap3A_117 = tpu.vector_load %arg5[%swap3A_115, %swap3A_116] {strides = array<i32>} : memref<4x128xi32, #tpu.memory_space<vmem>>, vector<1x16xi32>,
    %swap3A_118 = vector.shape_cast %swap3A_117 : vector<1x16xi32> to vector<16xi32>
    %swap3A_119 = vector.shape_cast %add3A_113 : vector<16xi32> to vector<1x16xi32>
    tpu.vector_store %arg5[%swap3A_115, %swap3A_116], %swap3A_119 {strides = array<i32>} : memref<4x128xi32, #tpu.memory_space<vmem>>, vector<1x16xi32>,
    %get3A_120 = arith.constant 1 : i32
    %get3A_121 = arith.index_cast %get3A_120 : i32 to index
    %get3A_122 = arith.constant 16 : index
    %get3A_123 = tpu.vector_load %arg5[%get3A_121, %get3A_122] {strides = array<i32>} : memref<4x128xi32, #tpu.memory_space<vmem>>, vector<1x16xi32>,
    %get3A_124 = vector.shape_cast %get3A_123 : vector<1x16xi32> to vector<16xi32>
    %add3A_125 = vector.broadcast %add3A_4 : i32 to vector<16xi32>
    %add3A_126 = arith.addi %get3A_124, %add3A_125 : vector<16xi32>
    %swap3A_127 = arith.constant 1 : i32
    %swap3A_128 = arith.index_cast %swap3A_127 : i32 to index
    %swap3A_129 = arith.constant 16 : index
    %swap3A_130 = tpu.vector_load %arg5[%swap3A_128, %swap3A_129] {strides = array<i32>} : memref<4x128xi32, #tpu.memory_space<vmem>>, vector<1x16xi32>,
    %swap3A_131 = vector.shape_cast %swap3A_130 : vector<1x16xi32> to vector<16xi32>
    %swap3A_132 = vector.shape_cast %add3A_126 : vector<16xi32> to vector<1x16xi32>
    tpu.vector_store %arg5[%swap3A_128, %swap3A_129], %swap3A_132 {strides = array<i32>} : memref<4x128xi32, #tpu.memory_space<vmem>>, vector<1x16xi32>,
    %get3A_133 = arith.constant 1 : i32
    %get3A_134 = arith.index_cast %get3A_133 : i32 to index
    %get3A_135 = arith.constant 32 : index
    %get3A_136 = tpu.vector_load %arg5[%get3A_134, %get3A_135] {strides = array<i32>} : memref<4x128xi32, #tpu.memory_space<vmem>>, vector<1x16xi32>,
    %get3A_137 = vector.shape_cast %get3A_136 : vector<1x16xi32> to vector<16xi32>
    %add3A_138 = vector.broadcast %add3A_4 : i32 to vector<16xi32>
    %add3A_139 = arith.addi %get3A_137, %add3A_138 : vector<16xi32>
    %swap3A_140 = arith.constant 1 : i32
    %swap3A_141 = arith.index_cast %swap3A_140 : i32 to index
    %swap3A_142 = arith.constant 32 : index
    %swap3A_143 = tpu.vector_load %arg5[%swap3A_141, %swap3A_142] {strides = array<i32>} : memref<4x128xi32, #tpu.memory_space<vmem>>, vector<1x16xi32>,
    %swap3A_144 = vector.shape_cast %swap3A_143 : vector<1x16xi32> to vector<16xi32>
    %swap3A_145 = vector.shape_cast %add3A_139 : vector<16xi32> to vector<1x16xi32>
    tpu.vector_store %arg5[%swap3A_141, %swap3A_142], %swap3A_145 {strides = array<i32>} : memref<4x128xi32, #tpu.memory_space<vmem>>, vector<1x16xi32>,
    %get3A_146 = arith.constant 1 : i32
    %get3A_147 = arith.index_cast %get3A_146 : i32 to index
    %get3A_148 = arith.constant 48 : index
    %get3A_149 = tpu.vector_load %arg5[%get3A_147, %get3A_148] {strides = array<i32>} : memref<4x128xi32, #tpu.memory_space<vmem>>, vector<1x16xi32>,
    %get3A_150 = vector.shape_cast %get3A_149 : vector<1x16xi32> to vector<16xi32>
    %add3A_151 = vector.broadcast %add3A_4 : i32 to vector<16xi32>
    %add3A_152 = arith.addi %get3A_150, %add3A_151 : vector<16xi32>
    %swap3A_153 = arith.constant 1 : i32
    %swap3A_154 = arith.index_cast %swap3A_153 : i32 to index
    %swap3A_155 = arith.constant 48 : index
    %swap3A_156 = tpu.vector_load %arg5[%swap3A_154, %swap3A_155] {strides = array<i32>} : memref<4x128xi32, #tpu.memory_space<vmem>>, vector<1x16xi32>,
    %swap3A_157 = vector.shape_cast %swap3A_156 : vector<1x16xi32> to vector<16xi32>
    %swap3A_158 = vector.shape_cast %add3A_152 : vector<16xi32> to vector<1x16xi32>
    tpu.vector_store %arg5[%swap3A_154, %swap3A_155], %swap3A_158 {strides = array<i32>} : memref<4x128xi32, #tpu.memory_space<vmem>>, vector<1x16xi32>,
    %get3A_159 = arith.constant 1 : i32
    %get3A_160 = arith.index_cast %get3A_159 : i32 to index
    %get3A_161 = arith.constant 64 : index
    %get3A_162 = tpu.vector_load %arg5[%get3A_160, %get3A_161] {strides = array<i32>} : memref<4x128xi32, #tpu.memory_space<vmem>>, vector<1x16xi32>,
    %get3A_163 = vector.shape_cast %get3A_162 : vector<1x16xi32> to vector<16xi32>
    %add3A_164 = vector.broadcast %add3A_4 : i32 to vector<16xi32>
    %add3A_165 = arith.addi %get3A_163, %add3A_164 : vector<16xi32>
    %swap3A_166 = arith.constant 1 : i32
    %swap3A_167 = arith.index_cast %swap3A_166 : i32 to index
    %swap3A_168 = arith.constant 64 : index
    %swap3A_169 = tpu.vector_load %arg5[%swap3A_167, %swap3A_168] {strides = array<i32>} : memref<4x128xi32, #tpu.memory_space<vmem>>, vector<1x16xi32>,
    %swap3A_170 = vector.shape_cast %swap3A_169 : vector<1x16xi32> to vector<16xi32>
    %swap3A_171 = vector.shape_cast %add3A_165 : vector<16xi32> to vector<1x16xi32>
    tpu.vector_store %arg5[%swap3A_167, %swap3A_168], %swap3A_171 {strides = array<i32>} : memref<4x128xi32, #tpu.memory_space<vmem>>, vector<1x16xi32>,
    %get3A_172 = arith.constant 1 : i32
    %get3A_173 = arith.index_cast %get3A_172 : i32 to index
    %get3A_174 = arith.constant 80 : index
    %get3A_175 = tpu.vector_load %arg5[%get3A_173, %get3A_174] {strides = array<i32>} : memref<4x128xi32, #tpu.memory_space<vmem>>, vector<1x16xi32>,
    %get3A_176 = vector.shape_cast %get3A_175 : vector<1x16xi32> to vector<16xi32>
    %add3A_177 = vector.broadcast %add3A_4 : i32 to vector<16xi32>
    %add3A_178 = arith.addi %get3A_176, %add3A_177 : vector<16xi32>
    %swap3A_179 = arith.constant 1 : i32
    %swap3A_180 = arith.index_cast %swap3A_179 : i32 to index
    %swap3A_181 = arith.constant 80 : index
    %swap3A_182 = tpu.vector_load %arg5[%swap3A_180, %swap3A_181] {strides = array<i32>} : memref<4x128xi32, #tpu.memory_space<vmem>>, vector<1x16xi32>,
    %swap3A_183 = vector.shape_cast %swap3A_182 : vector<1x16xi32> to vector<16xi32>
    %swap3A_184 = vector.shape_cast %add3A_178 : vector<16xi32> to vector<1x16xi32>
    tpu.vector_store %arg5[%swap3A_180, %swap3A_181], %swap3A_184 {strides = array<i32>} : memref<4x128xi32, #tpu.memory_space<vmem>>, vector<1x16xi32>,
    %get3A_185 = arith.constant 1 : i32
    %get3A_186 = arith.index_cast %get3A_185 : i32 to index
    %get3A_187 = arith.constant 96 : index
    %get3A_188 = tpu.vector_load %arg5[%get3A_186, %get3A_187] {strides = array<i32>} : memref<4x128xi32, #tpu.memory_space<vmem>>, vector<1x16xi32>,
    %get3A_189 = vector.shape_cast %get3A_188 : vector<1x16xi32> to vector<16xi32>
    %add3A_190 = vector.broadcast %add3A_4 : i32 to vector<16xi32>
    %add3A_191 = arith.addi %get3A_189, %add3A_190 : vector<16xi32>
    %swap3A_192 = arith.constant 1 : i32
    %swap3A_193 = arith.index_cast %swap3A_192 : i32 to index
    %swap3A_194 = arith.constant 96 : index
    %swap3A_195 = tpu.vector_load %arg5[%swap3A_193, %swap3A_194] {strides = array<i32>} : memref<4x128xi32, #tpu.memory_space<vmem>>, vector<1x16xi32>,
    %swap3A_196 = vector.shape_cast %swap3A_195 : vector<1x16xi32> to vector<16xi32>
    %swap3A_197 = vector.shape_cast %add3A_191 : vector<16xi32> to vector<1x16xi32>
    tpu.vector_store %arg5[%swap3A_193, %swap3A_194], %swap3A_197 {strides = array<i32>} : memref<4x128xi32, #tpu.memory_space<vmem>>, vector<1x16xi32>,
    %get3A_198 = arith.constant 1 : i32
    %get3A_199 = arith.index_cast %get3A_198 : i32 to index
    %get3A_200 = arith.constant 112 : index
    %get3A_201 = tpu.vector_load %arg5[%get3A_199, %get3A_200] {strides = array<i32>} : memref<4x128xi32, #tpu.memory_space<vmem>>, vector<1x16xi32>,
    %get3A_202 = vector.shape_cast %get3A_201 : vector<1x16xi32> to vector<16xi32>
    %add3A_203 = vector.broadcast %add3A_4 : i32 to vector<16xi32>
    %add3A_204 = arith.addi %get3A_202, %add3A_203 : vector<16xi32>
    %swap3A_205 = arith.constant 1 : i32
    %swap3A_206 = arith.index_cast %swap3A_205 : i32 to index
    %swap3A_207 = arith.constant 112 : index
    %swap3A_208 = tpu.vector_load %arg5[%swap3A_206, %swap3A_207] {strides = array<i32>} : memref<4x128xi32, #tpu.memory_space<vmem>>, vector<1x16xi32>,
    %swap3A_209 = vector.shape_cast %swap3A_208 : vector<1x16xi32> to vector<16xi32>
    %swap3A_210 = vector.shape_cast %add3A_204 : vector<16xi32> to vector<1x16xi32>
    tpu.vector_store %arg5[%swap3A_206, %swap3A_207], %swap3A_210 {strides = array<i32>} : memref<4x128xi32, #tpu.memory_space<vmem>>, vector<1x16xi32>,
    %get3A_211 = arith.constant 2 : i32
    %get3A_212 = arith.index_cast %get3A_211 : i32 to index
    %get3A_213 = arith.constant 0 : index
    %get3A_214 = tpu.vector_load %arg5[%get3A_212, %get3A_213] {strides = array<i32>} : memref<4x128xi32, #tpu.memory_space<vmem>>, vector<1x16xi32>,
    %get3A_215 = vector.shape_cast %get3A_214 : vector<1x16xi32> to vector<16xi32>
    %add3A_216 = vector.broadcast %add3A_4 : i32 to vector<16xi32>
    %add3A_217 = arith.addi %get3A_215, %add3A_216 : vector<16xi32>
    %swap3A_218 = arith.constant 2 : i32
    %swap3A_219 = arith.index_cast %swap3A_218 : i32 to index
    %swap3A_220 = arith.constant 0 : index
    %swap3A_221 = tpu.vector_load %arg5[%swap3A_219, %swap3A_220] {strides = array<i32>} : memref<4x128xi32, #tpu.memory_space<vmem>>, vector<1x16xi32>,
    %swap3A_222 = vector.shape_cast %swap3A_221 : vector<1x16xi32> to vector<16xi32>
    %swap3A_223 = vector.shape_cast %add3A_217 : vector<16xi32> to vector<1x16xi32>
    tpu.vector_store %arg5[%swap3A_219, %swap3A_220], %swap3A_223 {strides = array<i32>} : memref<4x128xi32, #tpu.memory_space<vmem>>, vector<1x16xi32>,
    %get3A_224 = arith.constant 2 : i32
    %get3A_225 = arith.index_cast %get3A_224 : i32 to index
    %get3A_226 = arith.constant 16 : index
    %get3A_227 = tpu.vector_load %arg5[%get3A_225, %get3A_226] {strides = array<i32>} : memref<4x128xi32, #tpu.memory_space<vmem>>, vector<1x16xi32>,
    %get3A_228 = vector.shape_cast %get3A_227 : vector<1x16xi32> to vector<16xi32>
    %add3A_229 = vector.broadcast %add3A_4 : i32 to vector<16xi32>
    %add3A_230 = arith.addi %get3A_228, %add3A_229 : vector<16xi32>
    %swap3A_231 = arith.constant 2 : i32
    %swap3A_232 = arith.index_cast %swap3A_231 : i32 to index
    %swap3A_233 = arith.constant 16 : index
    %swap3A_234 = tpu.vector_load %arg5[%swap3A_232, %swap3A_233] {strides = array<i32>} : memref<4x128xi32, #tpu.memory_space<vmem>>, vector<1x16xi32>,
    %swap3A_235 = vector.shape_cast %swap3A_234 : vector<1x16xi32> to vector<16xi32>
    %swap3A_236 = vector.shape_cast %add3A_230 : vector<16xi32> to vector<1x16xi32>
    tpu.vector_store %arg5[%swap3A_232, %swap3A_233], %swap3A_236 {strides = array<i32>} : memref<4x128xi32, #tpu.memory_space<vmem>>, vector<1x16xi32>,
    %get3A_237 = arith.constant 2 : i32
    %get3A_238 = arith.index_cast %get3A_237 : i32 to index
    %get3A_239 = arith.constant 32 : index
    %get3A_240 = tpu.vector_load %arg5[%get3A_238, %get3A_239] {strides = array<i32>} : memref<4x128xi32, #tpu.memory_space<vmem>>, vector<1x16xi32>,
    %get3A_241 = vector.shape_cast %get3A_240 : vector<1x16xi32> to vector<16xi32>
    %add3A_242 = vector.broadcast %add3A_4 : i32 to vector<16xi32>
    %add3A_243 = arith.addi %get3A_241, %add3A_242 : vector<16xi32>
    %swap3A_244 = arith.constant 2 : i32
    %swap3A_245 = arith.index_cast %swap3A_244 : i32 to index
    %swap3A_246 = arith.constant 32 : index
    %swap3A_247 = tpu.vector_load %arg5[%swap3A_245, %swap3A_246] {strides = array<i32>} : memref<4x128xi32, #tpu.memory_space<vmem>>, vector<1x16xi32>,
    %swap3A_248 = vector.shape_cast %swap3A_247 : vector<1x16xi32> to vector<16xi32>
    %swap3A_249 = vector.shape_cast %add3A_243 : vector<16xi32> to vector<1x16xi32>
    tpu.vector_store %arg5[%swap3A_245, %swap3A_246], %swap3A_249 {strides = array<i32>} : memref<4x128xi32, #tpu.memory_space<vmem>>, vector<1x16xi32>,
    %get3A_250 = arith.constant 2 : i32
    %get3A_251 = arith.index_cast %get3A_250 : i32 to index
    %get3A_252 = arith.constant 48 : index
    %get3A_253 = tpu.vector_load %arg5[%get3A_251, %get3A_252] {strides = array<i32>} : memref<4x128xi32, #tpu.memory_space<vmem>>, vector<1x16xi32>,
    %get3A_254 = vector.shape_cast %get3A_253 : vector<1x16xi32> to vector<16xi32>
    %add3A_255 = vector.broadcast %add3A_4 : i32 to vector<16xi32>
    %add3A_256 = arith.addi %get3A_254, %add3A_255 : vector<16xi32>
    %swap3A_257 = arith.constant 2 : i32
    %swap3A_258 = arith.index_cast %swap3A_257 : i32 to index
    %swap3A_259 = arith.constant 48 : index
    %swap3A_260 = tpu.vector_load %arg5[%swap3A_258, %swap3A_259] {strides = array<i32>} : memref<4x128xi32, #tpu.memory_space<vmem>>, vector<1x16xi32>,
    %swap3A_261 = vector.shape_cast %swap3A_260 : vector<1x16xi32> to vector<16xi32>
    %swap3A_262 = vector.shape_cast %add3A_256 : vector<16xi32> to vector<1x16xi32>
    tpu.vector_store %arg5[%swap3A_258, %swap3A_259], %swap3A_262 {strides = array<i32>} : memref<4x128xi32, #tpu.memory_space<vmem>>, vector<1x16xi32>,
    %get3A_263 = arith.constant 2 : i32
    %get3A_264 = arith.index_cast %get3A_263 : i32 to index
    %get3A_265 = arith.constant 64 : index
    %get3A_266 = tpu.vector_load %arg5[%get3A_264, %get3A_265] {strides = array<i32>} : memref<4x128xi32, #tpu.memory_space<vmem>>, vector<1x16xi32>,
    %get3A_267 = vector.shape_cast %get3A_266 : vector<1x16xi32> to vector<16xi32>
    %add3A_268 = vector.broadcast %add3A_4 : i32 to vector<16xi32>
    %add3A_269 = arith.addi %get3A_267, %add3A_268 : vector<16xi32>
    %swap3A_270 = arith.constant 2 : i32
    %swap3A_271 = arith.index_cast %swap3A_270 : i32 to index
    %swap3A_272 = arith.constant 64 : index
    %swap3A_273 = tpu.vector_load %arg5[%swap3A_271, %swap3A_272] {strides = array<i32>} : memref<4x128xi32, #tpu.memory_space<vmem>>, vector<1x16xi32>,
    %swap3A_274 = vector.shape_cast %swap3A_273 : vector<1x16xi32> to vector<16xi32>
    %swap3A_275 = vector.shape_cast %add3A_269 : vector<16xi32> to vector<1x16xi32>
    tpu.vector_store %arg5[%swap3A_271, %swap3A_272], %swap3A_275 {strides = array<i32>} : memref<4x128xi32, #tpu.memory_space<vmem>>, vector<1x16xi32>,
    %get3A_276 = arith.constant 2 : i32
    %get3A_277 = arith.index_cast %get3A_276 : i32 to index
    %get3A_278 = arith.constant 80 : index
    %get3A_279 = tpu.vector_load %arg5[%get3A_277, %get3A_278] {strides = array<i32>} : memref<4x128xi32, #tpu.memory_space<vmem>>, vector<1x16xi32>,
    %get3A_280 = vector.shape_cast %get3A_279 : vector<1x16xi32> to vector<16xi32>
    %add3A_281 = vector.broadcast %add3A_4 : i32 to vector<16xi32>
    %add3A_282 = arith.addi %get3A_280, %add3A_281 : vector<16xi32>
    %swap3A_283 = arith.constant 2 : i32
    %swap3A_284 = arith.index_cast %swap3A_283 : i32 to index
    %swap3A_285 = arith.constant 80 : index
    %swap3A_286 = tpu.vector_load %arg5[%swap3A_284, %swap3A_285] {strides = array<i32>} : memref<4x128xi32, #tpu.memory_space<vmem>>, vector<1x16xi32>,
    %swap3A_287 = vector.shape_cast %swap3A_286 : vector<1x16xi32> to vector<16xi32>
    %swap3A_288 = vector.shape_cast %add3A_282 : vector<16xi32> to vector<1x16xi32>
    tpu.vector_store %arg5[%swap3A_284, %swap3A_285], %swap3A_288 {strides = array<i32>} : memref<4x128xi32, #tpu.memory_space<vmem>>, vector<1x16xi32>,
    %get3A_289 = arith.constant 2 : i32
    %get3A_290 = arith.index_cast %get3A_289 : i32 to index
    %get3A_291 = arith.constant 96 : index
    %get3A_292 = tpu.vector_load %arg5[%get3A_290, %get3A_291] {strides = array<i32>} : memref<4x128xi32, #tpu.memory_space<vmem>>, vector<1x16xi32>,
    %get3A_293 = vector.shape_cast %get3A_292 : vector<1x16xi32> to vector<16xi32>
    %add3A_294 = vector.broadcast %add3A_4 : i32 to vector<16xi32>
    %add3A_295 = arith.addi %get3A_293, %add3A_294 : vector<16xi32>
    %swap3A_296 = arith.constant 2 : i32
    %swap3A_297 = arith.index_cast %swap3A_296 : i32 to index
    %swap3A_298 = arith.constant 96 : index
    %swap3A_299 = tpu.vector_load %arg5[%swap3A_297, %swap3A_298] {strides = array<i32>} : memref<4x128xi32, #tpu.memory_space<vmem>>, vector<1x16xi32>,
    %swap3A_300 = vector.shape_cast %swap3A_299 : vector<1x16xi32> to vector<16xi32>
    %swap3A_301 = vector.shape_cast %add3A_295 : vector<16xi32> to vector<1x16xi32>
    tpu.vector_store %arg5[%swap3A_297, %swap3A_298], %swap3A_301 {strides = array<i32>} : memref<4x128xi32, #tpu.memory_space<vmem>>, vector<1x16xi32>,
    %get3A_302 = arith.constant 2 : i32
    %get3A_303 = arith.index_cast %get3A_302 : i32 to index
    %get3A_304 = arith.constant 112 : index
    %get3A_305 = tpu.vector_load %arg5[%get3A_303, %get3A_304] {strides = array<i32>} : memref<4x128xi32, #tpu.memory_space<vmem>>, vector<1x16xi32>,
    %get3A_306 = vector.shape_cast %get3A_305 : vector<1x16xi32> to vector<16xi32>
    %add3A_307 = vector.broadcast %add3A_4 : i32 to vector<16xi32>
    %add3A_308 = arith.addi %get3A_306, %add3A_307 : vector<16xi32>
    %swap3A_309 = arith.constant 2 : i32
    %swap3A_310 = arith.index_cast %swap3A_309 : i32 to index
    %swap3A_311 = arith.constant 112 : index
    %swap3A_312 = tpu.vector_load %arg5[%swap3A_310, %swap3A_311] {strides = array<i32>} : memref<4x128xi32, #tpu.memory_space<vmem>>, vector<1x16xi32>,
    %swap3A_313 = vector.shape_cast %swap3A_312 : vector<1x16xi32> to vector<16xi32>
    %swap3A_314 = vector.shape_cast %add3A_308 : vector<16xi32> to vector<1x16xi32>
    tpu.vector_store %arg5[%swap3A_310, %swap3A_311], %swap3A_314 {strides = array<i32>} : memref<4x128xi32, #tpu.memory_space<vmem>>, vector<1x16xi32>,
    %get3A_315 = arith.constant 3 : i32
    %get3A_316 = arith.index_cast %get3A_315 : i32 to index
    %get3A_317 = arith.constant 0 : index
    %get3A_318 = tpu.vector_load %arg5[%get3A_316, %get3A_317] {strides = array<i32>} : memref<4x128xi32, #tpu.memory_space<vmem>>, vector<1x16xi32>,
    %get3A_319 = vector.shape_cast %get3A_318 : vector<1x16xi32> to vector<16xi32>
    %add3A_320 = vector.broadcast %add3A_4 : i32 to vector<16xi32>
    %add3A_321 = arith.addi %get3A_319, %add3A_320 : vector<16xi32>
    %swap3A_322 = arith.constant 3 : i32
    %swap3A_323 = arith.index_cast %swap3A_322 : i32 to index
    %swap3A_324 = arith.constant 0 : index
    %swap3A_325 = tpu.vector_load %arg5[%swap3A_323, %swap3A_324] {strides = array<i32>} : memref<4x128xi32, #tpu.memory_space<vmem>>, vector<1x16xi32>,
    %swap3A_326 = vector.shape_cast %swap3A_325 : vector<1x16xi32> to vector<16xi32>
    %swap3A_327 = vector.shape_cast %add3A_321 : vector<16xi32> to vector<1x16xi32>
    tpu.vector_store %arg5[%swap3A_323, %swap3A_324], %swap3A_327 {strides = array<i32>} : memref<4x128xi32, #tpu.memory_space<vmem>>, vector<1x16xi32>,
    %get3A_328 = arith.constant 3 : i32
    %get3A_329 = arith.index_cast %get3A_328 : i32 to index
    %get3A_330 = arith.constant 16 : index
    %get3A_331 = tpu.vector_load %arg5[%get3A_329, %get3A_330] {strides = array<i32>} : memref<4x128xi32, #tpu.memory_space<vmem>>, vector<1x16xi32>,
    %get3A_332 = vector.shape_cast %get3A_331 : vector<1x16xi32> to vector<16xi32>
    %add3A_333 = vector.broadcast %add3A_4 : i32 to vector<16xi32>
    %add3A_334 = arith.addi %get3A_332, %add3A_333 : vector<16xi32>
    %swap3A_335 = arith.constant 3 : i32
    %swap3A_336 = arith.index_cast %swap3A_335 : i32 to index
    %swap3A_337 = arith.constant 16 : index
    %swap3A_338 = tpu.vector_load %arg5[%swap3A_336, %swap3A_337] {strides = array<i32>} : memref<4x128xi32, #tpu.memory_space<vmem>>, vector<1x16xi32>,
    %swap3A_339 = vector.shape_cast %swap3A_338 : vector<1x16xi32> to vector<16xi32>
    %swap3A_340 = vector.shape_cast %add3A_334 : vector<16xi32> to vector<1x16xi32>
    tpu.vector_store %arg5[%swap3A_336, %swap3A_337], %swap3A_340 {strides = array<i32>} : memref<4x128xi32, #tpu.memory_space<vmem>>, vector<1x16xi32>,
    %get3A_341 = arith.constant 3 : i32
    %get3A_342 = arith.index_cast %get3A_341 : i32 to index
    %get3A_343 = arith.constant 32 : index
    %get3A_344 = tpu.vector_load %arg5[%get3A_342, %get3A_343] {strides = array<i32>} : memref<4x128xi32, #tpu.memory_space<vmem>>, vector<1x16xi32>,
    %get3A_345 = vector.shape_cast %get3A_344 : vector<1x16xi32> to vector<16xi32>
    %add3A_346 = vector.broadcast %add3A_4 : i32 to vector<16xi32>
    %add3A_347 = arith.addi %get3A_345, %add3A_346 : vector<16xi32>
    %swap3A_348 = arith.constant 3 : i32
    %swap3A_349 = arith.index_cast %swap3A_348 : i32 to index
    %swap3A_350 = arith.constant 32 : index
    %swap3A_351 = tpu.vector_load %arg5[%swap3A_349, %swap3A_350] {strides = array<i32>} : memref<4x128xi32, #tpu.memory_space<vmem>>, vector<1x16xi32>,
    %swap3A_352 = vector.shape_cast %swap3A_351 : vector<1x16xi32> to vector<16xi32>
    %swap3A_353 = vector.shape_cast %add3A_347 : vector<16xi32> to vector<1x16xi32>
    tpu.vector_store %arg5[%swap3A_349, %swap3A_350], %swap3A_353 {strides = array<i32>} : memref<4x128xi32, #tpu.memory_space<vmem>>, vector<1x16xi32>,
    %get3A_354 = arith.constant 3 : i32
    %get3A_355 = arith.index_cast %get3A_354 : i32 to index
    %get3A_356 = arith.constant 48 : index
    %get3A_357 = tpu.vector_load %arg5[%get3A_355, %get3A_356] {strides = array<i32>} : memref<4x128xi32, #tpu.memory_space<vmem>>, vector<1x16xi32>,
    %get3A_358 = vector.shape_cast %get3A_357 : vector<1x16xi32> to vector<16xi32>
    %add3A_359 = vector.broadcast %add3A_4 : i32 to vector<16xi32>
    %add3A_360 = arith.addi %get3A_358, %add3A_359 : vector<16xi32>
    %swap3A_361 = arith.constant 3 : i32
    %swap3A_362 = arith.index_cast %swap3A_361 : i32 to index
    %swap3A_363 = arith.constant 48 : index
    %swap3A_364 = tpu.vector_load %arg5[%swap3A_362, %swap3A_363] {strides = array<i32>} : memref<4x128xi32, #tpu.memory_space<vmem>>, vector<1x16xi32>,
    %swap3A_365 = vector.shape_cast %swap3A_364 : vector<1x16xi32> to vector<16xi32>
    %swap3A_366 = vector.shape_cast %add3A_360 : vector<16xi32> to vector<1x16xi32>
    tpu.vector_store %arg5[%swap3A_362, %swap3A_363], %swap3A_366 {strides = array<i32>} : memref<4x128xi32, #tpu.memory_space<vmem>>, vector<1x16xi32>,
    %get3A_367 = arith.constant 3 : i32
    %get3A_368 = arith.index_cast %get3A_367 : i32 to index
    %get3A_369 = arith.constant 64 : index
    %get3A_370 = tpu.vector_load %arg5[%get3A_368, %get3A_369] {strides = array<i32>} : memref<4x128xi32, #tpu.memory_space<vmem>>, vector<1x16xi32>,
    %get3A_371 = vector.shape_cast %get3A_370 : vector<1x16xi32> to vector<16xi32>
    %add3A_372 = vector.broadcast %add3A_4 : i32 to vector<16xi32>
    %add3A_373 = arith.addi %get3A_371, %add3A_372 : vector<16xi32>
    %swap3A_374 = arith.constant 3 : i32
    %swap3A_375 = arith.index_cast %swap3A_374 : i32 to index
    %swap3A_376 = arith.constant 64 : index
    %swap3A_377 = tpu.vector_load %arg5[%swap3A_375, %swap3A_376] {strides = array<i32>} : memref<4x128xi32, #tpu.memory_space<vmem>>, vector<1x16xi32>,
    %swap3A_378 = vector.shape_cast %swap3A_377 : vector<1x16xi32> to vector<16xi32>
    %swap3A_379 = vector.shape_cast %add3A_373 : vector<16xi32> to vector<1x16xi32>
    tpu.vector_store %arg5[%swap3A_375, %swap3A_376], %swap3A_379 {strides = array<i32>} : memref<4x128xi32, #tpu.memory_space<vmem>>, vector<1x16xi32>,
    %get3A_380 = arith.constant 3 : i32
    %get3A_381 = arith.index_cast %get3A_380 : i32 to index
    %get3A_382 = arith.constant 80 : index
    %get3A_383 = tpu.vector_load %arg5[%get3A_381, %get3A_382] {strides = array<i32>} : memref<4x128xi32, #tpu.memory_space<vmem>>, vector<1x16xi32>,
    %get3A_384 = vector.shape_cast %get3A_383 : vector<1x16xi32> to vector<16xi32>
    %add3A_385 = vector.broadcast %add3A_4 : i32 to vector<16xi32>
    %add3A_386 = arith.addi %get3A_384, %add3A_385 : vector<16xi32>
    %swap3A_387 = arith.constant 3 : i32
    %swap3A_388 = arith.index_cast %swap3A_387 : i32 to index
    %swap3A_389 = arith.constant 80 : index
    %swap3A_390 = tpu.vector_load %arg5[%swap3A_388, %swap3A_389] {strides = array<i32>} : memref<4x128xi32, #tpu.memory_space<vmem>>, vector<1x16xi32>,
    %swap3A_391 = vector.shape_cast %swap3A_390 : vector<1x16xi32> to vector<16xi32>
    %swap3A_392 = vector.shape_cast %add3A_386 : vector<16xi32> to vector<1x16xi32>
    tpu.vector_store %arg5[%swap3A_388, %swap3A_389], %swap3A_392 {strides = array<i32>} : memref<4x128xi32, #tpu.memory_space<vmem>>, vector<1x16xi32>,
    %get3A_393 = arith.constant 3 : i32
    %get3A_394 = arith.index_cast %get3A_393 : i32 to index
    %get3A_395 = arith.constant 96 : index
    %get3A_396 = tpu.vector_load %arg5[%get3A_394, %get3A_395] {strides = array<i32>} : memref<4x128xi32, #tpu.memory_space<vmem>>, vector<1x16xi32>,
    %get3A_397 = vector.shape_cast %get3A_396 : vector<1x16xi32> to vector<16xi32>
    %add3A_398 = vector.broadcast %add3A_4 : i32 to vector<16xi32>
    %add3A_399 = arith.addi %get3A_397, %add3A_398 : vector<16xi32>
    %swap3A_400 = arith.constant 3 : i32
    %swap3A_401 = arith.index_cast %swap3A_400 : i32 to index
    %swap3A_402 = arith.constant 96 : index
    %swap3A_403 = tpu.vector_load %arg5[%swap3A_401, %swap3A_402] {strides = array<i32>} : memref<4x128xi32, #tpu.memory_space<vmem>>, vector<1x16xi32>,
    %swap3A_404 = vector.shape_cast %swap3A_403 : vector<1x16xi32> to vector<16xi32>
    %swap3A_405 = vector.shape_cast %add3A_399 : vector<16xi32> to vector<1x16xi32>
    tpu.vector_store %arg5[%swap3A_401, %swap3A_402], %swap3A_405 {strides = array<i32>} : memref<4x128xi32, #tpu.memory_space<vmem>>, vector<1x16xi32>,
    %get3A_406 = arith.constant 3 : i32
    %get3A_407 = arith.index_cast %get3A_406 : i32 to index
    %get3A_408 = arith.constant 112 : index
    %get3A_409 = tpu.vector_load %arg5[%get3A_407, %get3A_408] {strides = array<i32>} : memref<4x128xi32, #tpu.memory_space<vmem>>, vector<1x16xi32>,
    %get3A_410 = vector.shape_cast %get3A_409 : vector<1x16xi32> to vector<16xi32>
    %add3A_411 = vector.broadcast %add3A_4 : i32 to vector<16xi32>
    %add3A_412 = arith.addi %get3A_410, %add3A_411 : vector<16xi32>
    %swap3A_413 = arith.constant 3 : i32
    %swap3A_414 = arith.index_cast %swap3A_413 : i32 to index
    %swap3A_415 = arith.constant 112 : index
    %swap3A_416 = tpu.vector_load %arg5[%swap3A_414, %swap3A_415] {strides = array<i32>} : memref<4x128xi32, #tpu.memory_space<vmem>>, vector<1x16xi32>,
    %swap3A_417 = vector.shape_cast %swap3A_416 : vector<1x16xi32> to vector<16xi32>
    %swap3A_418 = vector.shape_cast %add3A_412 : vector<16xi32> to vector<1x16xi32>
    tpu.vector_store %arg5[%swap3A_414, %swap3A_415], %swap3A_418 {strides = array<i32>} : memref<4x128xi32, #tpu.memory_space<vmem>>, vector<1x16xi32>,
    %dma_start3A = arith.constant 0 : i32
    %dma_start3A_419 = arith.constant 0 : i32
    %dma_start3A_420 = arith.constant 0 : i32
    %dma_start3A_421 = tpu.memref_slice %arg6[%dma_start3A_419, %dma_start3A_420] : memref<512x128xf32, #tpu.memory_space<vmem>> -> memref<128x128xf32, #tpu.memory_space<vmem>>
    %dma_start3A_422 = arith.constant 0 : i32
    %dma_start3A_423 = tpu.memref_slice %arg5[%dma_start3A, %dma_start3A_422] : memref<4x128xi32, #tpu.memory_space<vmem>> -> memref<1x128xi32, #tpu.memory_space<vmem>>
    %dma_start3A_424 = tpu.memref_squeeze %dma_start3A_423 : memref<1x128xi32, #tpu.memory_space<vmem>> -> memref<128xi32, #tpu.memory_space<vmem>>
    %dma_start3A_425 = arith.constant 0 : i32
    %dma_start3A_426 = arith.constant 0 : i32
    %dma_start3A_427 = tpu.memref_slice %arg2[%dma_start3A_425, %dma_start3A_426] : memref<32784x128xf32, #tpu.memory_space<hbm>> -> memref<32784x128xf32, #tpu.memory_space<hbm>>
    tpu.enqueue_indirect_dma source(%dma_start3A_427 : memref<32784x128xf32, #tpu.memory_space<hbm>>) target(%dma_start3A_421 : memref<128x128xf32, #tpu.memory_space<vmem>>) offsets(%dma_start3A_424 : memref<128xi32, #tpu.memory_space<vmem>>) semaphore(%arg8 : memref<!tpu.dma_semaphore, #tpu.memory_space<semaphore_mem>>)
    %dma_start3A_428 = arith.constant 1 : i32
    %dma_start3A_429 = arith.constant 128 : i32
    %dma_start3A_430 = arith.constant 0 : i32
    %dma_start3A_431 = tpu.memref_slice %arg6[%dma_start3A_429, %dma_start3A_430] : memref<512x128xf32, #tpu.memory_space<vmem>> -> memref<128x128xf32, #tpu.memory_space<vmem>>
    %dma_start3A_432 = arith.constant 0 : i32
    %dma_start3A_433 = tpu.memref_slice %arg5[%dma_start3A_428, %dma_start3A_432] : memref<4x128xi32, #tpu.memory_space<vmem>> -> memref<1x128xi32, #tpu.memory_space<vmem>>
    %dma_start3A_434 = tpu.memref_squeeze %dma_start3A_433 : memref<1x128xi32, #tpu.memory_space<vmem>> -> memref<128xi32, #tpu.memory_space<vmem>>
    %dma_start3A_435 = arith.constant 0 : i32
    %dma_start3A_436 = arith.constant 0 : i32
    %dma_start3A_437 = tpu.memref_slice %arg2[%dma_start3A_435, %dma_start3A_436] : memref<32784x128xf32, #tpu.memory_space<hbm>> -> memref<32784x128xf32, #tpu.memory_space<hbm>>
    tpu.enqueue_indirect_dma source(%dma_start3A_437 : memref<32784x128xf32, #tpu.memory_space<hbm>>) target(%dma_start3A_431 : memref<128x128xf32, #tpu.memory_space<vmem>>) offsets(%dma_start3A_434 : memref<128xi32, #tpu.memory_space<vmem>>) semaphore(%arg8 : memref<!tpu.dma_semaphore, #tpu.memory_space<semaphore_mem>>)
    %dma_start3A_438 = arith.constant 2 : i32
    %dma_start3A_439 = arith.constant 256 : i32
    %dma_start3A_440 = arith.constant 0 : i32
    %dma_start3A_441 = tpu.memref_slice %arg6[%dma_start3A_439, %dma_start3A_440] : memref<512x128xf32, #tpu.memory_space<vmem>> -> memref<128x128xf32, #tpu.memory_space<vmem>>
    %dma_start3A_442 = arith.constant 0 : i32
    %dma_start3A_443 = tpu.memref_slice %arg5[%dma_start3A_438, %dma_start3A_442] : memref<4x128xi32, #tpu.memory_space<vmem>> -> memref<1x128xi32, #tpu.memory_space<vmem>>
    %dma_start3A_444 = tpu.memref_squeeze %dma_start3A_443 : memref<1x128xi32, #tpu.memory_space<vmem>> -> memref<128xi32, #tpu.memory_space<vmem>>
    %dma_start3A_445 = arith.constant 0 : i32
    %dma_start3A_446 = arith.constant 0 : i32
    %dma_start3A_447 = tpu.memref_slice %arg2[%dma_start3A_445, %dma_start3A_446] : memref<32784x128xf32, #tpu.memory_space<hbm>> -> memref<32784x128xf32, #tpu.memory_space<hbm>>
    tpu.enqueue_indirect_dma source(%dma_start3A_447 : memref<32784x128xf32, #tpu.memory_space<hbm>>) target(%dma_start3A_441 : memref<128x128xf32, #tpu.memory_space<vmem>>) offsets(%dma_start3A_444 : memref<128xi32, #tpu.memory_space<vmem>>) semaphore(%arg8 : memref<!tpu.dma_semaphore, #tpu.memory_space<semaphore_mem>>)
    %dma_start3A_448 = arith.constant 3 : i32
    %dma_start3A_449 = arith.constant 384 : i32
    %dma_start3A_450 = arith.constant 0 : i32
    %dma_start3A_451 = tpu.memref_slice %arg6[%dma_start3A_449, %dma_start3A_450] : memref<512x128xf32, #tpu.memory_space<vmem>> -> memref<128x128xf32, #tpu.memory_space<vmem>>
    %dma_start3A_452 = arith.constant 0 : i32
    %dma_start3A_453 = tpu.memref_slice %arg5[%dma_start3A_448, %dma_start3A_452] : memref<4x128xi32, #tpu.memory_space<vmem>> -> memref<1x128xi32, #tpu.memory_space<vmem>>
    %dma_start3A_454 = tpu.memref_squeeze %dma_start3A_453 : memref<1x128xi32, #tpu.memory_space<vmem>> -> memref<128xi32, #tpu.memory_space<vmem>>
    %dma_start3A_455 = arith.constant 0 : i32
    %dma_start3A_456 = arith.constant 0 : i32
    %dma_start3A_457 = tpu.memref_slice %arg2[%dma_start3A_455, %dma_start3A_456] : memref<32784x128xf32, #tpu.memory_space<hbm>> -> memref<32784x128xf32, #tpu.memory_space<hbm>>
    tpu.enqueue_indirect_dma source(%dma_start3A_457 : memref<32784x128xf32, #tpu.memory_space<hbm>>) target(%dma_start3A_451 : memref<128x128xf32, #tpu.memory_space<vmem>>) offsets(%dma_start3A_454 : memref<128xi32, #tpu.memory_space<vmem>>) semaphore(%arg8 : memref<!tpu.dma_semaphore, #tpu.memory_space<semaphore_mem>>)
    %eq3A = arith.constant 0 : i32
    %eq3A_458 = arith.cmpi eq, %arg0, %eq3A : i32
    %convert_element_type3A = arith.extui %eq3A_458 : i1 to i32
    %cond3A = arith.constant 0 : i32
    %cond3A_459 = arith.cmpi ne, %convert_element_type3A, %cond3A : i32
    scf.if %cond3A_459 {
      %mul3A_506 = arith.constant 2049 : i32
      %mul3A_507 = arith.muli %arg1, %mul3A_506 : i32
      "tpu.region"() ({
        %run_scoped3A = tpu.sem_alloc : memref<!tpu.dma_semaphore, #tpu.memory_space<semaphore_mem>>
        %dma_start3A_510 = arith.constant 0 : i32
        %dma_start3A_511 = tpu.memref_slice %arg2[%mul3A_507, %dma_start3A_510] : memref<32784x128xf32, #tpu.memory_space<hbm>> -> memref<1x128xf32, #tpu.memory_space<hbm>>
        %dma_start3A_512 = arith.constant 0 : i32
        %dma_start3A_513 = tpu.memref_slice %arg2[%mul3A_507, %dma_start3A_512] : memref<32784x128xf32, #tpu.memory_space<hbm>> -> memref<1x128xf32, #tpu.memory_space<hbm>>
        tpu.enqueue_dma source(%dma_start3A_513 : memref<1x128xf32, #tpu.memory_space<hbm>>) target(%arg7 : memref<1x128xf32, #tpu.memory_space<vmem>>) target_semaphore(%run_scoped3A : memref<!tpu.dma_semaphore, #tpu.memory_space<semaphore_mem>>)
        %dma_wait3A_514 = arith.constant 0 : i32
        %dma_wait3A_515 = tpu.memref_slice %arg2[%mul3A_507, %dma_wait3A_514] : memref<32784x128xf32, #tpu.memory_space<hbm>> -> memref<1x128xf32, #tpu.memory_space<hbm>>
        %dma_wait3A_516 = arith.constant 0 : i32
        %dma_wait3A_517 = tpu.memref_slice %arg2[%mul3A_507, %dma_wait3A_516] : memref<32784x128xf32, #tpu.memory_space<hbm>> -> memref<1x128xf32, #tpu.memory_space<hbm>>
        tpu.wait_dma2 semaphore(%run_scoped3A : memref<!tpu.dma_semaphore, #tpu.memory_space<semaphore_mem>>) src(%dma_wait3A_517 : memref<1x128xf32, #tpu.memory_space<hbm>>) dst(%arg7 : memref<1x128xf32, #tpu.memory_space<vmem>>)
        tpu.yield
      }) : () -> ()
      %mul3A_508 = arith.constant 1025 : i32
      %mul3A_509 = arith.muli %arg1, %mul3A_508 : i32
      "tpu.region"() ({
        %run_scoped3A = tpu.sem_alloc : memref<!tpu.dma_semaphore, #tpu.memory_space<semaphore_mem>>
        %dma_start3A_510 = arith.constant 0 : i32
        %dma_start3A_511 = tpu.memref_slice %arg4[%mul3A_509, %dma_start3A_510] : memref<16400x128xf32, #tpu.memory_space<hbm>> -> memref<1x128xf32, #tpu.memory_space<hbm>>
        %dma_start3A_512 = arith.constant 0 : i32
        %dma_start3A_513 = tpu.memref_slice %arg4[%mul3A_509, %dma_start3A_512] : memref<16400x128xf32, #tpu.memory_space<hbm>> -> memref<1x128xf32, #tpu.memory_space<hbm>>
        tpu.enqueue_dma source(%arg7 : memref<1x128xf32, #tpu.memory_space<vmem>>) target(%dma_start3A_513 : memref<1x128xf32, #tpu.memory_space<hbm>>) target_semaphore(%run_scoped3A : memref<!tpu.dma_semaphore, #tpu.memory_space<semaphore_mem>>)
        %dma_wait3A_514 = arith.constant 0 : i32
        %dma_wait3A_515 = tpu.memref_slice %arg4[%mul3A_509, %dma_wait3A_514] : memref<16400x128xf32, #tpu.memory_space<hbm>> -> memref<1x128xf32, #tpu.memory_space<hbm>>
        %dma_wait3A_516 = arith.constant 0 : i32
        %dma_wait3A_517 = tpu.memref_slice %arg4[%mul3A_509, %dma_wait3A_516] : memref<16400x128xf32, #tpu.memory_space<hbm>> -> memref<1x128xf32, #tpu.memory_space<hbm>>
        tpu.wait_dma2 semaphore(%run_scoped3A : memref<!tpu.dma_semaphore, #tpu.memory_space<semaphore_mem>>) src(%arg7 : memref<1x128xf32, #tpu.memory_space<vmem>>) dst(%dma_wait3A_517 : memref<1x128xf32, #tpu.memory_space<hbm>>)
        tpu.yield
      }) : () -> ()
    } else {
    }
    %dma_wait3A = arith.constant 0 : i32
    %dma_wait3A_460 = arith.constant 0 : i32
    %dma_wait3A_461 = arith.constant 0 : i32
    %dma_wait3A_462 = tpu.memref_slice %arg6[%dma_wait3A_460, %dma_wait3A_461] : memref<512x128xf32, #tpu.memory_space<vmem>> -> memref<128x128xf32, #tpu.memory_space<vmem>>
    %dma_wait3A_463 = arith.constant 0 : i32
    %dma_wait3A_464 = tpu.memref_slice %arg5[%dma_wait3A, %dma_wait3A_463] : memref<4x128xi32, #tpu.memory_space<vmem>> -> memref<1x128xi32, #tpu.memory_space<vmem>>
    %dma_wait3A_465 = tpu.memref_squeeze %dma_wait3A_464 : memref<1x128xi32, #tpu.memory_space<vmem>> -> memref<128xi32, #tpu.memory_space<vmem>>
    %dma_wait3A_466 = arith.constant 0 : i32
    %dma_wait3A_467 = arith.constant 0 : i32
    %dma_wait3A_468 = tpu.memref_slice %arg2[%dma_wait3A_466, %dma_wait3A_467] : memref<32784x128xf32, #tpu.memory_space<hbm>> -> memref<32784x128xf32, #tpu.memory_space<hbm>>
    tpu.wait_indirect_dma semaphore(%arg8 : memref<!tpu.dma_semaphore, #tpu.memory_space<semaphore_mem>>) src(%dma_wait3A_468 : memref<32784x128xf32, #tpu.memory_space<hbm>>) dst(%dma_wait3A_462 : memref<128x128xf32, #tpu.memory_space<vmem>>)
    %dma_wait3A_469 = arith.constant 1 : i32
    %dma_wait3A_470 = arith.constant 128 : i32
    %dma_wait3A_471 = arith.constant 0 : i32
    %dma_wait3A_472 = tpu.memref_slice %arg6[%dma_wait3A_470, %dma_wait3A_471] : memref<512x128xf32, #tpu.memory_space<vmem>> -> memref<128x128xf32, #tpu.memory_space<vmem>>
    %dma_wait3A_473 = arith.constant 0 : i32
    %dma_wait3A_474 = tpu.memref_slice %arg5[%dma_wait3A_469, %dma_wait3A_473] : memref<4x128xi32, #tpu.memory_space<vmem>> -> memref<1x128xi32, #tpu.memory_space<vmem>>
    %dma_wait3A_475 = tpu.memref_squeeze %dma_wait3A_474 : memref<1x128xi32, #tpu.memory_space<vmem>> -> memref<128xi32, #tpu.memory_space<vmem>>
    %dma_wait3A_476 = arith.constant 0 : i32
    %dma_wait3A_477 = arith.constant 0 : i32
    %dma_wait3A_478 = tpu.memref_slice %arg2[%dma_wait3A_476, %dma_wait3A_477] : memref<32784x128xf32, #tpu.memory_space<hbm>> -> memref<32784x128xf32, #tpu.memory_space<hbm>>
    tpu.wait_indirect_dma semaphore(%arg8 : memref<!tpu.dma_semaphore, #tpu.memory_space<semaphore_mem>>) src(%dma_wait3A_478 : memref<32784x128xf32, #tpu.memory_space<hbm>>) dst(%dma_wait3A_472 : memref<128x128xf32, #tpu.memory_space<vmem>>)
    %dma_wait3A_479 = arith.constant 2 : i32
    %dma_wait3A_480 = arith.constant 256 : i32
    %dma_wait3A_481 = arith.constant 0 : i32
    %dma_wait3A_482 = tpu.memref_slice %arg6[%dma_wait3A_480, %dma_wait3A_481] : memref<512x128xf32, #tpu.memory_space<vmem>> -> memref<128x128xf32, #tpu.memory_space<vmem>>
    %dma_wait3A_483 = arith.constant 0 : i32
    %dma_wait3A_484 = tpu.memref_slice %arg5[%dma_wait3A_479, %dma_wait3A_483] : memref<4x128xi32, #tpu.memory_space<vmem>> -> memref<1x128xi32, #tpu.memory_space<vmem>>
    %dma_wait3A_485 = tpu.memref_squeeze %dma_wait3A_484 : memref<1x128xi32, #tpu.memory_space<vmem>> -> memref<128xi32, #tpu.memory_space<vmem>>
    %dma_wait3A_486 = arith.constant 0 : i32
    %dma_wait3A_487 = arith.constant 0 : i32
    %dma_wait3A_488 = tpu.memref_slice %arg2[%dma_wait3A_486, %dma_wait3A_487] : memref<32784x128xf32, #tpu.memory_space<hbm>> -> memref<32784x128xf32, #tpu.memory_space<hbm>>
    tpu.wait_indirect_dma semaphore(%arg8 : memref<!tpu.dma_semaphore, #tpu.memory_space<semaphore_mem>>) src(%dma_wait3A_488 : memref<32784x128xf32, #tpu.memory_space<hbm>>) dst(%dma_wait3A_482 : memref<128x128xf32, #tpu.memory_space<vmem>>)
    %dma_wait3A_489 = arith.constant 3 : i32
    %dma_wait3A_490 = arith.constant 384 : i32
    %dma_wait3A_491 = arith.constant 0 : i32
    %dma_wait3A_492 = tpu.memref_slice %arg6[%dma_wait3A_490, %dma_wait3A_491] : memref<512x128xf32, #tpu.memory_space<vmem>> -> memref<128x128xf32, #tpu.memory_space<vmem>>
    %dma_wait3A_493 = arith.constant 0 : i32
    %dma_wait3A_494 = tpu.memref_slice %arg5[%dma_wait3A_489, %dma_wait3A_493] : memref<4x128xi32, #tpu.memory_space<vmem>> -> memref<1x128xi32, #tpu.memory_space<vmem>>
    %dma_wait3A_495 = tpu.memref_squeeze %dma_wait3A_494 : memref<1x128xi32, #tpu.memory_space<vmem>> -> memref<128xi32, #tpu.memory_space<vmem>>
    %dma_wait3A_496 = arith.constant 0 : i32
    %dma_wait3A_497 = arith.constant 0 : i32
    %dma_wait3A_498 = tpu.memref_slice %arg2[%dma_wait3A_496, %dma_wait3A_497] : memref<32784x128xf32, #tpu.memory_space<hbm>> -> memref<32784x128xf32, #tpu.memory_space<hbm>>
    tpu.wait_indirect_dma semaphore(%arg8 : memref<!tpu.dma_semaphore, #tpu.memory_space<semaphore_mem>>) src(%dma_wait3A_498 : memref<32784x128xf32, #tpu.memory_space<hbm>>) dst(%dma_wait3A_492 : memref<128x128xf32, #tpu.memory_space<vmem>>)
    %mul3A_499 = arith.constant 1025 : i32
    %mul3A_500 = arith.muli %arg1, %mul3A_499 : i32
    %add3A_501 = arith.constant 1 : i32
    %add3A_502 = arith.addi %mul3A_500, %add3A_501 : i32
    %mul3A_503 = arith.constant 512 : i32
    %mul3A_504 = arith.muli %arg0, %mul3A_503 : i32
    %add3A_505 = arith.addi %add3A_502, %mul3A_504 : i32
    "tpu.region"() ({
      %run_scoped3A = tpu.sem_alloc : memref<!tpu.dma_semaphore, #tpu.memory_space<semaphore_mem>>
      %dma_start3A_506 = arith.constant 0 : i32
      %dma_start3A_507 = tpu.memref_slice %arg4[%add3A_505, %dma_start3A_506] : memref<16400x128xf32, #tpu.memory_space<hbm>> -> memref<512x128xf32, #tpu.memory_space<hbm>>
      %dma_start3A_508 = arith.constant 0 : i32
      %dma_start3A_509 = tpu.memref_slice %arg4[%add3A_505, %dma_start3A_508] : memref<16400x128xf32, #tpu.memory_space<hbm>> -> memref<512x128xf32, #tpu.memory_space<hbm>>
      tpu.enqueue_dma source(%arg6 : memref<512x128xf32, #tpu.memory_space<vmem>>) target(%dma_start3A_509 : memref<512x128xf32, #tpu.memory_space<hbm>>) target_semaphore(%run_scoped3A : memref<!tpu.dma_semaphore, #tpu.memory_space<semaphore_mem>>)
      %dma_wait3A_510 = arith.constant 0 : i32
      %dma_wait3A_511 = tpu.memref_slice %arg4[%add3A_505, %dma_wait3A_510] : memref<16400x128xf32, #tpu.memory_space<hbm>> -> memref<512x128xf32, #tpu.memory_space<hbm>>
      %dma_wait3A_512 = arith.constant 0 : i32
      %dma_wait3A_513 = tpu.memref_slice %arg4[%add3A_505, %dma_wait3A_512] : memref<16400x128xf32, #tpu.memory_space<hbm>> -> memref<512x128xf32, #tpu.memory_space<hbm>>
      tpu.wait_dma2 semaphore(%run_scoped3A : memref<!tpu.dma_semaphore, #tpu.memory_space<semaphore_mem>>) src(%arg6 : memref<512x128xf32, #tpu.memory_space<vmem>>) dst(%dma_wait3A_513 : memref<512x128xf32, #tpu.memory_space<hbm>>)
      tpu.yield
    }) : () -> ()
    return
  }
}

</mosaic_0001>

<sc_bundles>
// kernel: kernel.3.cloned.1.call-start
scs
__scs_entry_jumppad:
0x0: {  	(pc) =	sbr.rel $0x88, $3  }
0x1: {  	(tag) =	ssettag $0x0;
	lr =	simm.s32 $0x1  }
0x2: {  	[smem:$0x3F9D] =	sst lr;
	_ =	strace $0xD0000000  }
0x3: {  	_ = 	snop  }
0x4: {  	_ = 	snop  }
0x5: {  	_ = 	snop  }
0x6: {  	_ = 	snop  }
0x7: {  	_ = 	snop  }
__scs_overlays_trampoline_lowered:
0x8: {  	[smem:$0x3FAC] =	sst s0  }
0x9: {  	[smem:$0x3FAD] =	sst s1  }
0xa: {  	[smem:$0x3FAE] =	sst s2  }
0xb: {  	[smem:$0x3FAF] =	sst s3  }
0xc: {  	[smem:$0x3FB0] =	sst s4  }
0xd: {  	[smem:$0x3FB1] =	sst s5  }
0xe: {  	[smem:$0x3FB2] =	sst s6  }
0xf: {  	[smem:$0x3FB3] =	sst s7  }
0x10: {  	[smem:$0x3FB4] =	sst s8  }
0x11: {  	[smem:$0x3FB5] =	sst s9;
	s0 =	simm.s32 @!p0 $0x0  }
0x12: {  	s1 =	sld [smem:$0x3F9B];
	s0 =	simm.s32 @p0 $0x1  }
0x13: {  	[smem:$0x3FB6] =	sst s0;
	s0 =	simm.s32 @!p1 $0x0  }
0x14: {  	s2 =	sld [smem:$0x3F9A];
	s0 =	simm.s32 @p1 $0x1  }
0x15: {  	[smem:$0x3FB7] =	sst s0;
	s0 =	simm.s32 @!p2 $0x0  }
0x16: {  	s3 =	sld [smem:$0x3FDB];
	s0 =	simm.s32 @p2 $0x1  }
0x17: {  	s4 =	simm.s32 $0x1BF5;
	[smem:$0x3FB9] =	sst s0  }
0x18: {  	s0 =	sld [smem:$0x3F9C];
	_ =	swait.ge [sflag:s4], $0x0  }
0x19: {  	s7 =	sld [smem:$0x3F9D]  }
0x1a: {  	s8 =	sadd.s32 $0xFFFFE003, lr  }
0x1b: {  	s9 =	sadd.s32 $0xFFFFFEF7, lr;
	s5 =	simm.s32 $0xFFFFFFFF;
	p2 =	slt.u32 s8, $0xFFFFF086  }
0x1c: {  	p1 =	slt.u32 s9, $0xF7A;
	s5 =	simm.s32 @!p2 $0x0  }
0x1d: {  	s5 =	simm.s32 @p1 $0x1;
	p0 =	seq.s32 s7, s2  }
0x1e: {  	s7 =	smul.u32 @!p0 $0xF7A, s2;
	p2 =	seq.s32 @!p0 s5, $0x0  }
0x1f: {  	s9 =	smul.u32 $0xF7A, s1;
	s8 =	simm.s32 @!p0 $0x1BF5;
	p2 =	por !p2, p0  }
0x20: {  	[sflag:s8] =	ssyncset.s32 @!p0 $0xFFFFF086;
	s6 =	sadd.s32 @!p0 s3, s7;
	s7 =	simm.s32 @!p0 $0x108  }
0x21: {  	s3 =	sadd.s32 s3, s9;
	s6 =	sadd.s32 @!p0 $0x88, s6;
	s7 =	simm.s32 @p2 $0x1082  }
0x22: {  	[simem:s7], [sflag:s8] =	dma.local @!p0 [hbm:s6], $0xF7A  }
0x23: {  	s9 =	sor.u32 $0xD0000000, s2;
	s6 =	simm.s32 $0x108;
	_ =	swait.ge @!p0 [sflag:s8], $0x0  }
0x24: {  	s3 =	sadd.s32 $0x88, s3;
	s6 =	simm.s32 @!p1 $0x1082;
	[sflag:s4] =	ssyncset.s32 $0xFFFFF086  }
0x25: {  	[simem:s6], [sflag:s4] =	dma.local [hbm:s3], $0xF7A  }
0x26: {  	[smem:$0x3F9D] =	sst s1;
	(tag) =	ssettag s2;
	_ =	strace s9  }
0x27: {  	s1 =	sld [smem:$0x3FAD]  }
0x28: {  	s2 =	sld [smem:$0x3FAE]  }
0x29: {  	s4 =	sld [smem:$0x3FB0]  }
0x2a: {  	p0 =	seq.s32 s5, $0x0;
	s5 =	sld [smem:$0x3FB1]  }
0x2b: {  	s6 =	sld [smem:$0x3FB2]  }
0x2c: {  	s7 =	sld [smem:$0x3FB3]  }
0x2d: {  	s3 =	simm.s32 $0x108;
	s8 =	sld [smem:$0x3FB4]  }
0x2e: {  	s3 =	simm.s32 @!p0 $0x1082;
	s9 =	sld [smem:$0x3FB5]  }
0x2f: {  	lr =	sadd.s32 s0, s3;
	s0 =	sld [smem:$0x3FAC]  }
0x30: {  	s3 =	sld [smem:$0x3FAF]  }
0x31: {  	[smem:$0x3FB8] =	sst s10  }
0x32: {  	s10 =	sld [smem:$0x3FB6];
	_ =	sdelay $0x3  }
0x33: {  	p0 =	seq.s32 s10, $0x1;
	s10 =	sld [smem:$0x3FB8];
	_ =	sdelay $0x3  }
0x34: {  	[smem:$0x3FB8] =	sst s10  }
0x35: {  	s10 =	sld [smem:$0x3FB7];
	_ =	sdelay $0x3  }
0x36: {  	p1 =	seq.s32 s10, $0x1;
	s10 =	sld [smem:$0x3FB8];
	_ =	sdelay $0x3  }
0x37: {  	[smem:$0x3FB8] =	sst s10  }
0x38: {  	s10 =	sld [smem:$0x3FB9]  }
0x39: {  	_ = 	snop;
	(pc) =	sbr.ind lr, $3  }
0x3a: {  	_ = 	snop  }
0x3b: {  	_ = 	snop  }
0x3c: {  	p2 =	seq.s32 s10, $0x1;
	s10 =	sld [smem:$0x3FB8]  }
0x3d: {  	_ =	shalt  }
0x3e: {  	_ =	shalt  }
0x3f: {  	_ =	shalt  }
0x40: {  	_ =	shalt  }
0x41: {  	_ =	shalt  }
0x42: {  	_ =	shalt  }
0x43: {  	_ =	shalt  }
0x44: {  	_ =	shalt  }
0x45: {  	_ =	shalt  }
0x46: {  	_ =	shalt  }
0x47: {  	_ =	shalt  }
0x48: {  	_ =	shalt  }
0x49: {  	_ =	shalt  }
0x4a: {  	_ =	shalt  }
0x4b: {  	_ =	shalt  }
0x4c: {  	_ =	shalt  }
0x4d: {  	_ =	shalt  }
0x4e: {  	_ =	shalt  }
0x4f: {  	_ =	shalt  }
0x50: {  	_ =	shalt  }
0x51: {  	_ =	shalt  }
0x52: {  	_ =	shalt  }
0x53: {  	_ =	shalt  }
0x54: {  	_ =	shalt  }
0x55: {  	_ =	shalt  }
0x56: {  	_ =	shalt  }
0x57: {  	_ =	shalt  }
0x58: {  	_ =	shalt  }
0x59: {  	_ =	shalt  }
0x5a: {  	_ =	shalt  }
0x5b: {  	_ =	shalt  }
0x5c: {  	_ =	shalt  }
0x5d: {  	_ =	shalt  }
0x5e: {  	_ =	shalt  }
0x5f: {  	_ =	shalt  }
0x60: {  	_ =	shalt  }
0x61: {  	_ =	shalt  }
0x62: {  	_ =	shalt  }
0x63: {  	_ =	shalt  }
0x64: {  	_ =	shalt  }
0x65: {  	_ =	shalt  }
0x66: {  	_ =	shalt  }
0x67: {  	_ =	shalt  }
0x68: {  	_ =	shalt  }
0x69: {  	_ =	shalt  }
0x6a: {  	_ =	shalt  }
0x6b: {  	_ =	shalt  }
0x6c: {  	_ =	shalt  }
0x6d: {  	_ =	shalt  }
0x6e: {  	_ =	shalt  }
0x6f: {  	_ =	shalt  }
0x70: {  	_ =	shalt  }
0x71: {  	_ =	shalt  }
0x72: {  	_ =	shalt  }
0x73: {  	_ =	shalt  }
0x74: {  	_ =	shalt  }
0x75: {  	_ =	shalt  }
0x76: {  	_ =	shalt  }
0x77: {  	_ =	shalt  }
0x78: {  	_ =	shalt  }
0x79: {  	_ =	shalt  }
0x7a: {  	_ =	shalt  }
0x7b: {  	_ =	shalt  }
0x7c: {  	_ =	shalt  }
0x7d: {  	_ =	shalt  }
0x7e: {  	_ =	shalt  }
0x7f: {  	_ =	shalt  }
0x80: {  	_ =	shalt  }
0x81: {  	_ =	shalt  }
0x82: {  	_ =	shalt  }
0x83: {  	_ =	shalt  }
0x84: {  	_ =	shalt  }
0x85: {  	_ =	shalt  }
0x86: {  	_ =	shalt  }
0x87: {  	_ =	shalt  }
.Lfunc_end0:
.L_simem_size_0:
called_computation_lowered:
.L_overlay_start_0:
0x88: {  	s2 =	sld [smem:$0x3FD9]  }
0x89: {  	s3 =	sld [smem:$0x3FFE];
	_ =	sdelay $0x1  }
0x8a: {  	s1 =	srdreg.scid  }
0x8b: {  	s0 =	sand.u32 $0x1, s1  }
0x8c: {  	s14 =	sshll.u32 s0, $0xA;
	s2 =	sadd.s32 s3, s2  }
0x8d: {  	s2 =	sadd.s32 s2, s14  }
0x8e: {  	[smem:$0x3FC4] =	sst s2  }
0x8f: {  	_ = 	snop  }
0x90: {  	s2 =	sld [smem:$0x3FD0];
	_ =	sdelay $0x2  }
0x91: {  	s15 =	simm.s32 $0xA;
	s4 =	simm.s32 $0x10  }
0x92: {  	[smem:s4], [sflag:s15] =	dma.local [hbm:s2], $0x1  }
0x93: {  	_ =	swait.eq [sflag:s15], $0x1  }
0x94: {  	[sflag:s15] =	ssyncset.done $0x0  }
0x95: {  	[sflag:s15] =	ssyncadd.s32 $0xFFFFFFFF  }
0x96: {  	s16 =	sld [smem:$0x10];
	(tm) =	ssettm $0x1  }
0x97: {  	s17 =	sld [smem:$0x3FFB];
	_ =	sdelay $0x3  }
0x98: {  	_ =	strace s17  }
0x99: {  	s3 =	sld [smem:$0x3FFC];
	_ =	sdelay $0x3  }
0x9a: {  	_ =	strace s3  }
0x9b: {  	s3 =	sld [smem:$0x3FFD];
	_ =	sdelay $0x3  }
0x9c: {  	_ =	strace s3  }
0x9d: {  	_ =	strace $0x8FFFFFFF  }
0x9e: {  	s18 =	sld [smem:$0x3FDB];
	_ =	sdelay $0x1  }
0x9f: {  	s19 =	simm.s32 $_scs_section_size  }
0xa0: {  	s5 =	simm.s32 $_size__tile_overlayer_lowered;
	s6 =	simm.s32 $_tile_overlayer_lowered  }
0xa1: {  	s22 =	simm.s32 $0x1BFF;
	s21 =	sshll.u32 s6, $0x1;
	s3 =	sadd.s32 s19, s18  }
0xa2: {  	s7 =	simm.s32 $0x0;
	s20 =	sshll.u32 s5, $0x1;
	s5 =	sadd.s32 s21, s3  }
0xa3: {  	[timem:s7], [sflag:s22] =	dma.local [hbm:s5], s20  }
0xa4: {  	_ =	swait.ge [sflag:s22], s20  }
0xa5: {  	s4 =	ssub.s32 $0x0, s20;
	[sflag:s22] =	ssyncset.done $0x0  }
0xa6: {  	[sflag:s22] =	ssyncadd.s32 s4;
	_ =	sdelay $0x1  }
0xa7: {  	s23 =	simm.s32 $0x1B8B  }
0xa8: {  	_ =	swait.ge [sflag:s23], $0x1  }
0xa9: {  	[sflag:s23] =	ssyncset.done $0x0  }
0xaa: {  	s25 =	simm.s32 $0x1B8E;
	s24 =	sld [smem:$0x3FFE];
	[sflag:s23] =	ssyncadd.s32 $0xFFFFFFFF  }
0xab: {  	s26 =	simm.s32 $execute0_lowered;
	[smem:$0x3FD2] =	sst s25  }
0xac: {  	s5 =	sshll.u32 s26, $0x1;
	_ =	strace $0x80000046;
	[dreg:$0x1] =	wrdreg $0xFFFFFFFF  }
0xad: {  	s28 =	simm.s32 $_size_execute0_lowered;
	s3 =	sadd.s32 s3, s5;
	[dreg:$0x0] =	wrdreg $0x0  }
0xae: {  	s5 =	sshll.u32 s28, $0x1;
	[dreg:$0x2] =	wrdreg s3  }
0xaf: {  	[dreg:$0x3] =	wrdreg s5  }
0xb0: {  	[dreg:$0x4] =	wrdreg $0xC0  }
0xb1: {  	_ =	task [dreg:s7], $0x5FFFF  }
0xb2: {  	[dreg:$0x1] =	wrdreg $0xFFFFFFFF  }
0xb3: {  	[dreg:$0x0] =	wrdreg $0x60  }
0xb4: {  	[dreg:$0x2] =	wrdreg s24  }
0xb5: {  	[dreg:$0x3] =	wrdreg s16  }
0xb6: {  	[dreg:$0x4] =	wrdreg $0x9  }
0xb7: {  	_ =	task.clear_ibuf [dreg:s7], $0x5FFFF;
	_ =	strace $0x90000046  }
0xb8: {  	s29 =	simm.s32 $0x9;
	_ =	strace $0x80000048  }
0xb9: {  	_ =	swait.ge [sflag:s29], $0x1  }
0xba: {  	[sflag:s29] =	ssyncadd.s32 $0xFFFFFFFF  }
0xbb: {  	_ =	strace $0x90000048  }
0xbc: {  	_ =	sfence  }
0xbd: {  	s30 =	sld [smem:$0x0];
	_ =	sdelay $0x2  }
0xbe: {  	s31 =	sshll.u32 s1, $0xD;
	s1 =	sshrl.u32 s1, $0x2  }
0xbf: {  	s3 =	sand.u32 $0x4000, s31;
	s1 =	sadd.s32 s1, s30  }
0xc0: {  	s0 =	sor.u32 s3, s0;
	s1 =	sshll.u32 s1, $0x11  }
0xc1: {  	s0 =	sor.u32 s1, s0  }
0xc2: {  	s0 =	sadd.s32 $0x8F2B, s0  }
0xc3: {  	[sflag:s0] =	ssyncadd.remote.s32 $0x1  }
0xc4: {  	_ =	sfence.sel $0xFFFF  }
0xc5: {  	[dreg:$0x0] =	wrdreg $0xFFFFFFFF;
	(pc) =	sbr.abs _section_cstart, $3  }
0xc6: {  	[dreg:$0x1] =	wrdreg $0xFFFFFFFF  }
0xc7: {  	_ =	task.clear_ibuf [dreg:s7], $0x2FFFF;
	_ =	strace $0x9FFFFFFF  }
0xc8: {  	(tm) =	ssettm $0x7FFFFFFF  }
0xc9: {  	_ =	shalt  }
tec
execute0_lowered:
.L_overlay_start_1:
0x0: {  	(tag) =	ssettag $0x1  }
0x1: {  	s7 =	rddreg [dreg:$0x0];
	s0 =	srdreg.scid  }
0x2: {  	s5 =	rddreg [dreg:$0x1];
	s6 =	sand.u32 $0x1, s0  }
0x3: {  	s1 =	stileid.u32;
	s2 =	simm.s32 $0x0;
	s3 =	sshll.u32 s6, $0x6  }
0x4: {  	s0 =	rddreg [dreg:$0x2];
	s4 =	sshll.u32 s1, $0x7;
	s3 =	sadd.s32 s3, s7  }
0x5: {  	[smem:$0x7FF] =	sst s2;
	s3 =	sadd.s32 s4, s3  }
0x6: {  	_ =	strace $0x80000047;
	s4 =	sadd.s32 $0x80C00, s3;
	s3 =	simm.s32 $0x2  }
0x7: {  	[tilespmem:s2], [sflag:$0x2] =	stream.linear.gather [hbm4b:s4+s2], $0x200, $0x38;
	[tilespmem:$0x10280] =	vst v63  }
0x8: {  	_ =	swait.ge [sflag:s3], $0x200  }
0x9: {  	[sflag:s3] =	ssyncset.done $0x0  }
0xa: {  	[sflag:s3] =	ssyncadd.s32 $0xFFFFFE00  }
0xb: {  	v1 =	vld [tilespmem:$0x1F0]  }
0xc: {  	s8 =	smul.u32 $0x801, s1;
	v2 =	vld [tilespmem:$0x1B0]  }
0xd: {  	v4 =	vld [tilespmem:$0x1D0]  }
0xe: {  	s8 =	sadd.s32 $0x1, s8;
	v5 =	vld [tilespmem:$0x1C0]  }
0xf: {  	v0 =	vmov s8;
	v6 =	vld [tilespmem:$0x130]  }
0x10: {  	v7 =	vld [tilespmem:$0x1A0];
	v1 =	vadd.s32 v0, v1  }
0x11: {  	v48 =	vld [tilespmem:$0x150];
	v2 =	vadd.s32 v0, v2;
	[tilespmem:$0x1F0] =	vst v1  }
0x12: {  	v3 =	vld [tilespmem:$0x1E0];
	v4 =	vadd.s32 v0, v4;
	[tilespmem:$0x1B0] =	vst v2  }
0x13: {  	v51 =	vld [tilespmem:$0xB0];
	v5 =	vadd.s32 v0, v5;
	[tilespmem:$0x1D0] =	vst v4  }
0x14: {  	v54 =	vld [tilespmem:$0xD0];
	v47 =	vadd.s32 v0, v6;
	[tilespmem:$0x1C0] =	vst v5  }
0x15: {  	v49 =	vld [tilespmem:$0x140];
	v50 =	vadd.s32 v0, v7;
	[tilespmem:$0x130] =	vst v47  }
0x16: {  	v6 =	vadd.s32 v0, v48;
	v1 =	vld [tilespmem:$0x190];
	[tilespmem:$0x1A0] =	vst v50  }
0x17: {  	v2 =	vadd.s32 v0, v3;
	v3 =	vld [tilespmem:$0x180];
	[tilespmem:$0x150] =	vst v6  }
0x18: {  	v53 =	vadd.s32 v0, v51;
	[tilespmem:$0x1E0] =	vst v2;
	v2 =	vld [tilespmem:$0x160]  }
0x19: {  	v52 =	vld [tilespmem:$0x120];
	v7 =	vadd.s32 v0, v54;
	[tilespmem:$0xB0] =	vst v53  }
0x1a: {  	v56 =	vld [tilespmem:$0x30];
	v4 =	vadd.s32 v0, v49;
	[tilespmem:$0xD0] =	vst v7  }
0x1b: {  	v58 =	vld [tilespmem:$0x60];
	[tilespmem:$0x140] =	vst v4;
	v1 =	vadd.s32 v0, v1  }
0x1c: {  	v3 =	vadd.s32 v0, v3;
	[tilespmem:$0x190] =	vst v1;
	v1 =	vld [tilespmem:$0x110]  }
0x1d: {  	v2 =	vadd.s32 v0, v2;
	[tilespmem:$0x180] =	vst v3;
	v3 =	vld [tilespmem:$0x100]  }
0x1e: {  	v5 =	vadd.s32 v0, v52;
	[tilespmem:$0x160] =	vst v2;
	v2 =	vld [tilespmem:$0xE0]  }
0x1f: {  	v55 =	vld [tilespmem:$0xC0];
	v6 =	vadd.s32 v0, v56;
	[tilespmem:$0x120] =	vst v5  }
0x20: {  	v57 =	vld [tilespmem:$0xA0];
	v7 =	vadd.s32 v0, v58;
	[tilespmem:$0x30] =	vst v6  }
0x21: {  	v60 =	vld [tilespmem:$0x40];
	[tilespmem:$0x60] =	vst v7;
	v1 =	vadd.s32 v0, v1  }
0x22: {  	v3 =	vadd.s32 v0, v3;
	[tilespmem:$0x110] =	vst v1;
	v1 =	vld [tilespmem:$0x90]  }
0x23: {  	v2 =	vadd.s32 v0, v2;
	[tilespmem:$0x100] =	vst v3;
	v3 =	vld [tilespmem:$0x80]  }
0x24: {  	v4 =	vadd.s32 v0, v55;
	[tilespmem:$0xE0] =	vst v2;
	v2 =	vld [tilespmem:$0x70]  }
0x25: {  	v59 =	vld [tilespmem:$0x50];
	v5 =	vadd.s32 v0, v57;
	[tilespmem:$0xC0] =	vst v4  }
0x26: {  	s10 =	ssub.s32 $0x2, s6;
	v61 =	vld [tilespmem:$0x20];
	v6 =	vadd.s32 v0, v60;
	[tilespmem:$0xA0] =	vst v5  }
0x27: {  	s31 =	sshrl.u32 s10, $0x1;
	v63 =	vld [tilespmem:$0x0];
	[tilespmem:$0x40] =	vst v6;
	v1 =	vadd.s32 v0, v1  }
0x28: {  	s10 =	ssub.s32 s10, s31;
	v3 =	vadd.s32 v0, v3;
	[tilespmem:$0x90] =	vst v1;
	v1 =	vld [tilespmem:$0x170]  }
0x29: {  	s15 =	simm.s32 $0x8200;
	s30 =	smul.u32 $0x20080, s1;
	s10 =	smax.u32 s10, $0x1;
	v2 =	vadd.s32 v0, v2;
	[tilespmem:$0x80] =	vst v3;
	v3 =	vld [tilespmem:$0x10]  }
0x2a: {  	s16 =	simm.s32 $0x180;
	s11 =	smul.u32 $0x8010, s1;
	s14 =	sadd.s32 $0xFFFFFFFF, s10;
	v62 =	vld [tilespmem:$0xF0];
	[tilespmem:$0x70] =	vst v2;
	v2 =	vadd.s32 v0, v59  }
0x2b: {  	s12 =	smul.u32 $0x4010, s1;
	s9 =	sshll.u32 s6, $0x10;
	p1 =	sne.s32 s14, $0x0;
	[tilespmem:$0x50] =	vst v2;
	v2 =	vadd.s32 v0, v61  }
.Ltmp0:
0x2c: {  	s17 =	simm.s32 $0xC200;
	s8 =	sadd.s32 s9, s30;
	[tilespmem:$0x20] =	vst v2;
	v2 =	vadd.s32 v0, v63;
	(pc) =	sbr.rel @!p1 .LBB2_2-.Ltmp0, $4  }
0x2d: {  	p0 =	sne.s32 s6, $0x0;
	s6 =	simm.s32 $0x200;
	s13 =	sshrl.u32 s8, $0x3;
	[tilespmem:$0x0] =	vst v2;
	v1 =	vadd.s32 v0, v1  }
0x2e: {  	s8 =	sadd.s32 $0xA00, s7;
	s7 =	sadd.s32 s5, s12;
	s12 =	simm.s32 $0x4200;
	[tilespmem:$0x170] =	vst v1;
	v1 =	vadd.s32 v0, v3  }
0x2f: {  	s13 =	sadd.s32 s5, s13;
	s9 =	sadd.s32 s8, s11;
	s11 =	simm.s32 $0x80;
	[tilespmem:$0x10] =	vst v1;
	v1 =	vadd.s32 v0, v62  }
0x30: {  	s10 =	simm.s32 $0x1;
	s5 =	sadd.s32 $0x10, s13;
	s13 =	simm.s32 $0x100;
	[tilespmem:$0xF0] =	vst v1  }
.LBB2_1:
0x31: {  	[tilespmem:s6], [sflag:$0x1] =	stream.indirect.gather [hbm4b:s8+s11], $0x80, s2, s11, $0xb8;
	[tilespmem:$0x10280] =	vst v63  }
0x32: {  	s14 =	sadd.s32 $0xFFFFFFFF, s14  }
0x33: {  	[tilespmem:s12], [sflag:$0x1] =	stream.indirect.gather [hbm4b:s8+s11], $0x80, s11, s11, $0xb8;
	[tilespmem:$0x10280] =	vst v63  }
0x34: {  	p1 =	sne.s32 s14, $0x0  }
0x35: {  	[tilespmem:s15], [sflag:$0x1] =	stream.indirect.gather [hbm4b:s8+s11], $0x80, s13, s11, $0xb8;
	[tilespmem:$0x10280] =	vst v63  }
0x36: {  	_ = 	snop  }
0x37: {  	[tilespmem:s17], [sflag:$0x1] =	stream.indirect.gather [hbm4b:s8+s11], $0x80, s16, s11, $0xb8;
	[tilespmem:$0x10280] =	vst v63  }
0x38: {  	s18 =	simm.s32 @!p0 $0x0;
	s19 =	simm.s32 @!p0 $0x10200;
	s20 =	simm.s32 @!p0 $0x2  }
0x39: {  	[tilespmem:s19], [sflag:$0x2] =	stream.linear.gather @!p0 [hbm4b:s9+s18], $0x80, $0x38;
	[tilespmem:$0x10280] =	vst v63  }
0x3a: {  	_ =	swait.ge @!p0 [sflag:s20], $0x80  }
0x3b: {  	[sflag:s20] =	ssyncset.done @!p0 $0x0  }
0x3c: {  	[sflag:s20] =	ssyncadd.s32 @!p0 $0xFFFFFF80  }
0x3d: {  	[hbm4b:s7+s18] =	stream.linear.scatter @!p0 [tilespmem:s19], [sflag:$0x2], $0x80, $0x38;
	[tilespmem:$0x10280] =	vst v63  }
0x3e: {  	_ =	swait.ge @!p0 [sflag:s20], $0x80  }
0x3f: {  	[sflag:s20] =	ssyncset.done @!p0 $0x0  }
0x40: {  	[sflag:s20] =	ssyncadd.s32 @!p0 $0xFFFFFF80  }
0x41: {  	_ =	swait.ge [sflag:s10], $0x4000  }
0x42: {  	[sflag:s10] =	ssyncset.done $0x0  }
0x43: {  	[sflag:s10] =	ssyncadd.s32 $0xFFFFC000  }
0x44: {  	_ =	swait.ge [sflag:s10], $0x4000  }
0x45: {  	[sflag:s10] =	ssyncset.done $0x0  }
0x46: {  	[sflag:s10] =	ssyncadd.s32 $0xFFFFC000  }
0x47: {  	_ =	swait.ge [sflag:s10], $0x4000  }
0x48: {  	[sflag:s10] =	ssyncset.done $0x0  }
0x49: {  	[sflag:s10] =	ssyncadd.s32 $0xFFFFC000  }
0x4a: {  	_ =	swait.ge [sflag:s10], $0x4000  }
0x4b: {  	[sflag:s10] =	ssyncset.done $0x0  }
0x4c: {  	[sflag:s10] =	ssyncadd.s32 $0xFFFFC000  }
0x4d: {  	[hbm4b:s5+s2] =	stream.linear.scatter [tilespmem:s6], [sflag:$0x2], $0x10000, $0x38;
	[tilespmem:$0x10280] =	vst v63  }
0x4e: {  	_ =	swait.ge [sflag:s3], $0x10000  }
0x4f: {  	[sflag:s3] =	ssyncset.done $0x0  }
0x50: {  	[sflag:s3] =	ssyncadd.s32 $0xFFFF0000  }
0x51: {  	[tilespmem:s2], [sflag:$0x2] =	stream.linear.gather [hbm4b:s4+s2], $0x200, $0x38;
	[tilespmem:$0x10280] =	vst v63  }
0x52: {  	_ =	swait.ge [sflag:s3], $0x200  }
0x53: {  	[sflag:s3] =	ssyncset.done $0x0  }
0x54: {  	[sflag:s3] =	ssyncadd.s32 $0xFFFFFE00  }
0x55: {  	v1 =	vld [tilespmem:$0x1F0]  }
0x56: {  	v2 =	vld [tilespmem:$0x1B0]  }
0x57: {  	v3 =	vld [tilespmem:$0x1E0]  }
0x58: {  	v4 =	vld [tilespmem:$0x1D0]  }
0x59: {  	v5 =	vld [tilespmem:$0x1C0]  }
0x5a: {  	v6 =	vld [tilespmem:$0x130];
	v1 =	vadd.s32 v0, v1  }
0x5b: {  	v7 =	vld [tilespmem:$0x1A0];
	v2 =	vadd.s32 v0, v2;
	[tilespmem:$0x1F0] =	vst v1  }
0x5c: {  	v1 =	vld [tilespmem:$0x190];
	[tilespmem:$0x1B0] =	vst v2;
	v2 =	vadd.s32 v0, v3  }
0x5d: {  	v3 =	vld [tilespmem:$0x180];
	v4 =	vadd.s32 v0, v4;
	[tilespmem:$0x1E0] =	vst v2  }
0x5e: {  	v2 =	vld [tilespmem:$0x160];
	v5 =	vadd.s32 v0, v5;
	[tilespmem:$0x1D0] =	vst v4  }
0x5f: {  	v4 =	vadd.s32 v0, v6;
	v6 =	vld [tilespmem:$0x150];
	[tilespmem:$0x1C0] =	vst v5  }
0x60: {  	[tilespmem:$0x130] =	vst v4;
	v4 =	vld [tilespmem:$0x140];
	v5 =	vadd.s32 v0, v7  }
0x61: {  	v7 =	vld [tilespmem:$0xB0];
	v1 =	vadd.s32 v0, v1;
	[tilespmem:$0x1A0] =	vst v5  }
0x62: {  	v5 =	vld [tilespmem:$0x120];
	v3 =	vadd.s32 v0, v3;
	[tilespmem:$0x190] =	vst v1  }
0x63: {  	v1 =	vld [tilespmem:$0x110];
	v2 =	vadd.s32 v0, v2;
	[tilespmem:$0x180] =	vst v3  }
0x64: {  	v3 =	vld [tilespmem:$0x100];
	v6 =	vadd.s32 v0, v6;
	[tilespmem:$0x160] =	vst v2  }
0x65: {  	v2 =	vld [tilespmem:$0xE0];
	v4 =	vadd.s32 v0, v4;
	[tilespmem:$0x150] =	vst v6  }
0x66: {  	v6 =	vadd.s32 v0, v7;
	v7 =	vld [tilespmem:$0xD0];
	[tilespmem:$0x140] =	vst v4  }
0x67: {  	[tilespmem:$0xB0] =	vst v6;
	v4 =	vld [tilespmem:$0xC0];
	v5 =	vadd.s32 v0, v5  }
0x68: {  	v6 =	vld [tilespmem:$0x30];
	v1 =	vadd.s32 v0, v1;
	[tilespmem:$0x120] =	vst v5  }
0x69: {  	v5 =	vld [tilespmem:$0xA0];
	v3 =	vadd.s32 v0, v3;
	[tilespmem:$0x110] =	vst v1  }
0x6a: {  	v1 =	vld [tilespmem:$0x90];
	v2 =	vadd.s32 v0, v2;
	[tilespmem:$0x100] =	vst v3  }
0x6b: {  	v3 =	vld [tilespmem:$0x80];
	v7 =	vadd.s32 v0, v7;
	[tilespmem:$0xE0] =	vst v2  }
0x6c: {  	v2 =	vld [tilespmem:$0x70];
	v4 =	vadd.s32 v0, v4;
	[tilespmem:$0xD0] =	vst v7  }
0x6d: {  	v6 =	vadd.s32 v0, v6;
	v7 =	vld [tilespmem:$0x60];
	[tilespmem:$0xC0] =	vst v4  }
0x6e: {  	[tilespmem:$0x30] =	vst v6;
	v4 =	vld [tilespmem:$0x50];
	v5 =	vadd.s32 v0, v5  }
0x6f: {  	v6 =	vld [tilespmem:$0x40];
	v1 =	vadd.s32 v0, v1;
	[tilespmem:$0xA0] =	vst v5  }
0x70: {  	v3 =	vadd.s32 v0, v3;
	[tilespmem:$0x90] =	vst v1;
	v1 =	vld [tilespmem:$0x170]  }
0x71: {  	v5 =	vld [tilespmem:$0x20];
	v2 =	vadd.s32 v0, v2;
	[tilespmem:$0x80] =	vst v3  }
0x72: {  	v3 =	vld [tilespmem:$0x10];
	v7 =	vadd.s32 v0, v7;
	[tilespmem:$0x70] =	vst v2  }
0x73: {  	v2 =	vadd.s32 v0, v4;
	[tilespmem:$0x60] =	vst v7;
	v4 =	vld [tilespmem:$0xF0]  }
0x74: {  	v7 =	vld [tilespmem:$0x0];
	v6 =	vadd.s32 v0, v6;
	[tilespmem:$0x50] =	vst v2  }
0x75: {  	[tilespmem:$0x40] =	vst v6;
	v1 =	vadd.s32 v0, v1  }
.Ltmp1:
0x76: {  	v2 =	vadd.s32 v0, v5;
	[tilespmem:$0x170] =	vst v1;
	(pc) =	sbr.rel @p1 .LBB2_1-.Ltmp1, $4  }
0x77: {  	v1 =	vadd.s32 v0, v3;
	[tilespmem:$0x20] =	vst v2  }
0x78: {  	[tilespmem:$0x10] =	vst v1;
	v1 =	vadd.s32 v0, v4  }
0x79: {  	v2 =	vadd.s32 v0, v7;
	[tilespmem:$0xF0] =	vst v1  }
0x7a: {  	[tilespmem:$0x0] =	vst v2  }
.LBB2_2:
0x7b: {  	[tilespmem:s6], [sflag:$0x1] =	stream.indirect.gather [hbm4b:s8+s11], $0x80, s2, s11, $0xb8;
	[tilespmem:$0x10280] =	vst v63  }
0x7c: {  	_ = 	snop  }
0x7d: {  	[tilespmem:s12], [sflag:$0x1] =	stream.indirect.gather [hbm4b:s8+s11], $0x80, s11, s11, $0xb8;
	[tilespmem:$0x10280] =	vst v63  }
0x7e: {  	_ = 	snop  }
0x7f: {  	[tilespmem:s15], [sflag:$0x1] =	stream.indirect.gather [hbm4b:s8+s11], $0x80, s13, s11, $0xb8;
	[tilespmem:$0x10280] =	vst v63  }
0x80: {  	_ = 	snop  }
0x81: {  	[tilespmem:s17], [sflag:$0x1] =	stream.indirect.gather [hbm4b:s8+s11], $0x80, s16, s11, $0xb8;
	[tilespmem:$0x10280] =	vst v63  }
0x82: {  	s4 =	simm.s32 @!p0 $0x0;
	s8 =	simm.s32 @!p0 $0x10200;
	s11 =	simm.s32 @!p0 $0x2  }
0x83: {  	[tilespmem:s8], [sflag:$0x2] =	stream.linear.gather @!p0 [hbm4b:s9+s4], $0x80, $0x38;
	[tilespmem:$0x10280] =	vst v63  }
0x84: {  	_ =	swait.ge @!p0 [sflag:s11], $0x80  }
0x85: {  	[sflag:s11] =	ssyncset.done @!p0 $0x0  }
0x86: {  	[sflag:s11] =	ssyncadd.s32 @!p0 $0xFFFFFF80  }
0x87: {  	[hbm4b:s7+s4] =	stream.linear.scatter @!p0 [tilespmem:s8], [sflag:$0x2], $0x80, $0x38;
	[tilespmem:$0x10280] =	vst v63  }
0x88: {  	_ =	swait.ge @!p0 [sflag:s11], $0x80  }
0x89: {  	[sflag:s11] =	ssyncset.done @!p0 $0x0  }
0x8a: {  	[sflag:s11] =	ssyncadd.s32 @!p0 $0xFFFFFF80  }
0x8b: {  	_ =	swait.ge [sflag:s10], $0x4000  }
0x8c: {  	[sflag:s10] =	ssyncset.done $0x0  }
0x8d: {  	[sflag:s10] =	ssyncadd.s32 $0xFFFFC000  }
0x8e: {  	_ =	swait.ge [sflag:s10], $0x4000  }
0x8f: {  	[sflag:s10] =	ssyncset.done $0x0  }
0x90: {  	[sflag:s10] =	ssyncadd.s32 $0xFFFFC000  }
0x91: {  	_ =	swait.ge [sflag:s10], $0x4000  }
0x92: {  	[sflag:s10] =	ssyncset.done $0x0  }
0x93: {  	[sflag:s10] =	ssyncadd.s32 $0xFFFFC000  }
0x94: {  	_ =	swait.ge [sflag:s10], $0x4000  }
0x95: {  	[sflag:s10] =	ssyncset.done $0x0  }
0x96: {  	[sflag:s10] =	ssyncadd.s32 $0xFFFFC000  }
0x97: {  	[hbm4b:s5+s2] =	stream.linear.scatter [tilespmem:s6], [sflag:$0x2], $0x10000, $0x38;
	[tilespmem:$0x10280] =	vst v63  }
0x98: {  	_ =	swait.ge [sflag:s3], $0x10000  }
0x99: {  	[sflag:s3] =	ssyncset.done $0x0  }
0x9a: {  	[sflag:s3] =	ssyncadd.s32 $0xFFFF0000  }
0x9b: {  	_ =	sfence.sel $0x180000  }
0x9c: {  	[bflag:$0x0] =	sbarrier.arrive $0xFFFF  }
0x9d: {  	p0 =	sne.s32 s1, $0x0;
	_ =	strace $0x90000047  }
0x9e: {  	s0 =	sadd.s32 @!p0 $0x100000, s0;
	[bflag:$0x2] =	sbarrier.arrive $0xFFFF  }
0x9f: {  	[sflag:s0] =	ssyncadd.tile.s32 @!p0 $0x1;
	_ =	shalt  }
.Lfunc_end2:
_tile_overlayer_lowered:
.L_overlay_start_2:
0xa0: {  	(tag) =	ssettag $0x2  }
0xa1: {  	s0 =	rddreg [dreg:$0x0];
	s2 =	stileid.u32  }
0xa2: {  	s1 =	rddreg [dreg:$0x1];
	p0 =	sne.s32 s2, $0x0  }
0xa3: {  	s3 =	rddreg [dreg:$0x2];
	[bflag:$0x3] =	sbarrier.arrive $0xFFFF;
	s2 =	simm.s32 @!p0 $0x1C02  }
0xa4: {  	[timem:s3], [sflag:s2] =	dma.local @!p0 [hbm:s0], s1  }
0xa5: {  	s0 =	simm.s32 @!p0 $0x2  }
0xa6: {  	_ =	swait.ge @!p0 [sflag:s0], s1  }
0xa7: {  	s1 =	ssub.s32 @!p0 $0x0, s1;
	[sflag:s0] =	ssyncset.done @!p0 $0x0  }
0xa8: {  	[sflag:s0] =	ssyncadd.s32 @!p0 s1  }
0xa9: {  	[bflag:$0x3] =	sbarrier.arrive $0xFFFF  }
0xaa: {  	_ =	shalt  }

</sc_bundles>
